<compile_context>
chip_gen: v7x
topology: tpu7x:2x2x1
jax: 0.10.2.dev20260603
libtpu: 0.0.44.dev20260713+nightly
codegen_flags: <defaults>
</compile_context>

<pallas_src>
import jax
import jax.numpy as jnp
from jax import lax
from jax.experimental import pallas as pl
from jax.experimental.pallas import tpu as pltpu
from jax.experimental.pallas import tpu_sc as plsc


_ROWS = 16384
_COLS = 4096
_NC = 2
_NS = 16
_NW = _NC * _NS
_RPW = _ROWS // _NW
_RB = 4
_NBUF = 4
_NCH = _RPW // _RB


def _sc_body(in_hbm, out_hbm, buf, sin, sout):
    wid = lax.axis_index("s") * _NC + lax.axis_index("c")
    base = wid * _RPW

    def _in(c, b):
        row = base + c * _RB
        return pltpu.make_async_copy(
            in_hbm.at[pl.ds(row, _RB), :], buf.at[b], sin.at[b])

    def _out(c, b):
        row = base + c * _RB
        return pltpu.make_async_copy(
            buf.at[b], out_hbm.at[pl.ds(row, _RB), :], sout.at[b])

    for b in range(_NBUF):
        _in(b, b).start()

    def step(it, carry):
        first = it * _NBUF
        for b in range(_NBUF):
            _in(first + b, b).wait()
            _out(first + b, b).start()
        for b in range(_NBUF):
            nc = first + b + _NBUF

            @pl.when(nc < _NCH)
            def _():
                _out(first + b, b).wait()
                _in(nc, b).start()
        return carry

    lax.fori_loop(0, _NCH // _NBUF, step, 0)
    for b in range(_NBUF):
        _out(_NCH - _NBUF + b, b).wait()


def kernel(tensor):
    flat = tensor.reshape(_ROWS, _COLS)
    k = pl.kernel(
        _sc_body,
        out_type=jax.ShapeDtypeStruct((_ROWS, _COLS), jnp.float32),
        mesh=plsc.VectorSubcoreMesh(core_axis_name="c", subcore_axis_name="s"),
        scratch_types=[
            pltpu.VMEM((_NBUF, _RB, _COLS), jnp.float32),
            pltpu.SemaphoreType.DMA((_NBUF,)),
            pltpu.SemaphoreType.DMA((_NBUF,)),
        ],
    )
    out = k(flat)
    return out.reshape(tensor.shape[0], tensor.shape[1], _COLS)

# --- scband reference (transcript-rebuilt; emitter-appended) ---
"""Pipeline reference for scband-reshape-74594991997364 (READ-ONLY COPY).

The authoritative reference and input builder live on the scoring server;
editing this copy changes nothing except your own understanding.
"""

import jax, jax.numpy as jnp
import numpy as np

# init_kwargs baked in as constants
INPUT_SHAPE = (32, 128)
OUTPUT_SHAPE = (4096,)


def _validate_dense_reshape(tensor_shape, input_shape, output_shape):
    broadcast_length = len(input_shape)
    if len(tensor_shape) - broadcast_length < 0:
        raise ValueError('Rank of tensor parameter insufficient for resize')
    if tuple(tensor_shape[-broadcast_length:]) != tuple(input_shape):
        raise ValueError('tensor shape and input_shape do not match')
    if int(np.prod(input_shape)) != int(np.prod(output_shape)):
        raise ValueError('Reshape is impossible with unequal number of elements')


def setup_inputs(seed: int = 0) -> dict:
    key = jax.random.key(seed)
    tensor = jax.random.normal(key, (4, 4096, 32, 128), dtype=jnp.float32)
    return {"tensor": tensor}


def reference(tensor):
    # Faithful translation of dense_reshape with broadcast semantics:
    # trailing dims matching input_shape are replaced by output_shape,
    # leading (static) dims are preserved.
    _validate_dense_reshape(tensor.shape, INPUT_SHAPE, OUTPUT_SHAPE)
    broadcast_length = len(INPUT_SHAPE)
    static_shape = tuple(tensor.shape[:-broadcast_length])
    final_shape = static_shape + tuple(OUTPUT_SHAPE)
    return jnp.reshape(tensor, final_shape)

if __name__ == "__main__":
    import jax
    _d = setup_inputs()
    print(jax.jit(kernel)(*tuple(_d.values())))

</pallas_src>

<mosaic_0001>
#map = affine_map<(d0, d1) -> (0, 0)>
module attributes {stable_mosaic.version = 14 : i64} {
  func.func @_sc_body(%arg0: i32, %arg1: i32, %arg2: memref<16384x4096xf32, #tpu.memory_space<hbm>>, %arg3: memref<16384x4096xf32, #tpu.memory_space<hbm>>, %arg4: memref<4x4x4096xf32, #tpu.memory_space<vmem>>, %arg5: memref<4x!tpu.dma_semaphore, #tpu.memory_space<semaphore_mem>>, %arg6: memref<4x!tpu.dma_semaphore, #tpu.memory_space<semaphore_mem>>) attributes {dimension_semantics = [#tpu.dimension_semantics<core_parallel>, #tpu.dimension_semantics<subcore_parallel>], iteration_bounds = array<i64: 2, 16>, scalar_prefetch = 0 : i64, scratch_operands = 3 : i64, tpu.core_type = #tpu.core_type<sc_vector_subcore>, window_params = [{transform_indices = #map}, {transform_indices = #map}]} {
    %mul3A = arith.constant 2 : i32
    %mul3A_0 = arith.muli %arg1, %mul3A : i32
    %add3A = arith.addi %mul3A_0, %arg0 : i32
    %mul3A_1 = arith.constant 512 : i32
    %mul3A_2 = arith.muli %add3A, %mul3A_1 : i32
    %add3A_3 = arith.constant 0 : i32
    %add3A_4 = arith.addi %mul3A_2, %add3A_3 : i32
    %dma_start3A = arith.constant 0 : i32
    %dma_start3A_5 = arith.constant 0 : i32
    %dma_start3A_6 = arith.constant 0 : i32
    %dma_start3A_7 = arith.constant 0 : i32
    %dma_start3A_8 = tpu.memref_slice %arg4[%dma_start3A, %dma_start3A_6, %dma_start3A_7] : memref<4x4x4096xf32, #tpu.memory_space<vmem>> -> memref<1x4x4096xf32, #tpu.memory_space<vmem>>
    %dma_start3A_9 = tpu.memref_squeeze %dma_start3A_8 : memref<1x4x4096xf32, #tpu.memory_space<vmem>> -> memref<4x4096xf32, #tpu.memory_space<vmem>>
    %dma_start3A_10 = arith.constant 0 : i32
    %dma_start3A_11 = tpu.memref_slice %arg2[%add3A_4, %dma_start3A_10] : memref<16384x4096xf32, #tpu.memory_space<hbm>> -> memref<4x4096xf32, #tpu.memory_space<hbm>>
    %dma_start3A_12 = tpu.memref_slice %arg5[%dma_start3A_5] : memref<4x!tpu.dma_semaphore, #tpu.memory_space<semaphore_mem>> -> memref<1x!tpu.dma_semaphore, #tpu.memory_space<semaphore_mem>>
    %dma_start3A_13 = tpu.memref_squeeze %dma_start3A_12 : memref<1x!tpu.dma_semaphore, #tpu.memory_space<semaphore_mem>> -> memref<!tpu.dma_semaphore, #tpu.memory_space<semaphore_mem>>
    %dma_start3A_14 = arith.constant 0 : i32
    %dma_start3A_15 = arith.constant 0 : i32
    %dma_start3A_16 = tpu.memref_slice %arg4[%dma_start3A, %dma_start3A_14, %dma_start3A_15] : memref<4x4x4096xf32, #tpu.memory_space<vmem>> -> memref<1x4x4096xf32, #tpu.memory_space<vmem>>
    %dma_start3A_17 = tpu.memref_squeeze %dma_start3A_16 : memref<1x4x4096xf32, #tpu.memory_space<vmem>> -> memref<4x4096xf32, #tpu.memory_space<vmem>>
    %dma_start3A_18 = arith.constant 0 : i32
    %dma_start3A_19 = tpu.memref_slice %arg2[%add3A_4, %dma_start3A_18] : memref<16384x4096xf32, #tpu.memory_space<hbm>> -> memref<4x4096xf32, #tpu.memory_space<hbm>>
    tpu.enqueue_dma source(%dma_start3A_19 : memref<4x4096xf32, #tpu.memory_space<hbm>>) target(%dma_start3A_17 : memref<4x4096xf32, #tpu.memory_space<vmem>>) target_semaphore(%dma_start3A_13 : memref<!tpu.dma_semaphore, #tpu.memory_space<semaphore_mem>>)
    %add3A_20 = arith.constant 4 : i32
    %add3A_21 = arith.addi %mul3A_2, %add3A_20 : i32
    %dma_start3A_22 = arith.constant 1 : i32
    %dma_start3A_23 = arith.constant 1 : i32
    %dma_start3A_24 = arith.constant 0 : i32
    %dma_start3A_25 = arith.constant 0 : i32
    %dma_start3A_26 = tpu.memref_slice %arg4[%dma_start3A_22, %dma_start3A_24, %dma_start3A_25] : memref<4x4x4096xf32, #tpu.memory_space<vmem>> -> memref<1x4x4096xf32, #tpu.memory_space<vmem>>
    %dma_start3A_27 = tpu.memref_squeeze %dma_start3A_26 : memref<1x4x4096xf32, #tpu.memory_space<vmem>> -> memref<4x4096xf32, #tpu.memory_space<vmem>>
    %dma_start3A_28 = arith.constant 0 : i32
    %dma_start3A_29 = tpu.memref_slice %arg2[%add3A_21, %dma_start3A_28] : memref<16384x4096xf32, #tpu.memory_space<hbm>> -> memref<4x4096xf32, #tpu.memory_space<hbm>>
    %dma_start3A_30 = tpu.memref_slice %arg5[%dma_start3A_23] : memref<4x!tpu.dma_semaphore, #tpu.memory_space<semaphore_mem>> -> memref<1x!tpu.dma_semaphore, #tpu.memory_space<semaphore_mem>>
    %dma_start3A_31 = tpu.memref_squeeze %dma_start3A_30 : memref<1x!tpu.dma_semaphore, #tpu.memory_space<semaphore_mem>> -> memref<!tpu.dma_semaphore, #tpu.memory_space<semaphore_mem>>
    %dma_start3A_32 = arith.constant 0 : i32
    %dma_start3A_33 = arith.constant 0 : i32
    %dma_start3A_34 = tpu.memref_slice %arg4[%dma_start3A_22, %dma_start3A_32, %dma_start3A_33] : memref<4x4x4096xf32, #tpu.memory_space<vmem>> -> memref<1x4x4096xf32, #tpu.memory_space<vmem>>
    %dma_start3A_35 = tpu.memref_squeeze %dma_start3A_34 : memref<1x4x4096xf32, #tpu.memory_space<vmem>> -> memref<4x4096xf32, #tpu.memory_space<vmem>>
    %dma_start3A_36 = arith.constant 0 : i32
    %dma_start3A_37 = tpu.memref_slice %arg2[%add3A_21, %dma_start3A_36] : memref<16384x4096xf32, #tpu.memory_space<hbm>> -> memref<4x4096xf32, #tpu.memory_space<hbm>>
    tpu.enqueue_dma source(%dma_start3A_37 : memref<4x4096xf32, #tpu.memory_space<hbm>>) target(%dma_start3A_35 : memref<4x4096xf32, #tpu.memory_space<vmem>>) target_semaphore(%dma_start3A_31 : memref<!tpu.dma_semaphore, #tpu.memory_space<semaphore_mem>>)
    %add3A_38 = arith.constant 8 : i32
    %add3A_39 = arith.addi %mul3A_2, %add3A_38 : i32
    %dma_start3A_40 = arith.constant 2 : i32
    %dma_start3A_41 = arith.constant 2 : i32
    %dma_start3A_42 = arith.constant 0 : i32
    %dma_start3A_43 = arith.constant 0 : i32
    %dma_start3A_44 = tpu.memref_slice %arg4[%dma_start3A_40, %dma_start3A_42, %dma_start3A_43] : memref<4x4x4096xf32, #tpu.memory_space<vmem>> -> memref<1x4x4096xf32, #tpu.memory_space<vmem>>
    %dma_start3A_45 = tpu.memref_squeeze %dma_start3A_44 : memref<1x4x4096xf32, #tpu.memory_space<vmem>> -> memref<4x4096xf32, #tpu.memory_space<vmem>>
    %dma_start3A_46 = arith.constant 0 : i32
    %dma_start3A_47 = tpu.memref_slice %arg2[%add3A_39, %dma_start3A_46] : memref<16384x4096xf32, #tpu.memory_space<hbm>> -> memref<4x4096xf32, #tpu.memory_space<hbm>>
    %dma_start3A_48 = tpu.memref_slice %arg5[%dma_start3A_41] : memref<4x!tpu.dma_semaphore, #tpu.memory_space<semaphore_mem>> -> memref<1x!tpu.dma_semaphore, #tpu.memory_space<semaphore_mem>>
    %dma_start3A_49 = tpu.memref_squeeze %dma_start3A_48 : memref<1x!tpu.dma_semaphore, #tpu.memory_space<semaphore_mem>> -> memref<!tpu.dma_semaphore, #tpu.memory_space<semaphore_mem>>
    %dma_start3A_50 = arith.constant 0 : i32
    %dma_start3A_51 = arith.constant 0 : i32
    %dma_start3A_52 = tpu.memref_slice %arg4[%dma_start3A_40, %dma_start3A_50, %dma_start3A_51] : memref<4x4x4096xf32, #tpu.memory_space<vmem>> -> memref<1x4x4096xf32, #tpu.memory_space<vmem>>
    %dma_start3A_53 = tpu.memref_squeeze %dma_start3A_52 : memref<1x4x4096xf32, #tpu.memory_space<vmem>> -> memref<4x4096xf32, #tpu.memory_space<vmem>>
    %dma_start3A_54 = arith.constant 0 : i32
    %dma_start3A_55 = tpu.memref_slice %arg2[%add3A_39, %dma_start3A_54] : memref<16384x4096xf32, #tpu.memory_space<hbm>> -> memref<4x4096xf32, #tpu.memory_space<hbm>>
    tpu.enqueue_dma source(%dma_start3A_55 : memref<4x4096xf32, #tpu.memory_space<hbm>>) target(%dma_start3A_53 : memref<4x4096xf32, #tpu.memory_space<vmem>>) target_semaphore(%dma_start3A_49 : memref<!tpu.dma_semaphore, #tpu.memory_space<semaphore_mem>>)
    %add3A_56 = arith.constant 12 : i32
    %add3A_57 = arith.addi %mul3A_2, %add3A_56 : i32
    %dma_start3A_58 = arith.constant 3 : i32
    %dma_start3A_59 = arith.constant 3 : i32
    %dma_start3A_60 = arith.constant 0 : i32
    %dma_start3A_61 = arith.constant 0 : i32
    %dma_start3A_62 = tpu.memref_slice %arg4[%dma_start3A_58, %dma_start3A_60, %dma_start3A_61] : memref<4x4x4096xf32, #tpu.memory_space<vmem>> -> memref<1x4x4096xf32, #tpu.memory_space<vmem>>
    %dma_start3A_63 = tpu.memref_squeeze %dma_start3A_62 : memref<1x4x4096xf32, #tpu.memory_space<vmem>> -> memref<4x4096xf32, #tpu.memory_space<vmem>>
    %dma_start3A_64 = arith.constant 0 : i32
    %dma_start3A_65 = tpu.memref_slice %arg2[%add3A_57, %dma_start3A_64] : memref<16384x4096xf32, #tpu.memory_space<hbm>> -> memref<4x4096xf32, #tpu.memory_space<hbm>>
    %dma_start3A_66 = tpu.memref_slice %arg5[%dma_start3A_59] : memref<4x!tpu.dma_semaphore, #tpu.memory_space<semaphore_mem>> -> memref<1x!tpu.dma_semaphore, #tpu.memory_space<semaphore_mem>>
    %dma_start3A_67 = tpu.memref_squeeze %dma_start3A_66 : memref<1x!tpu.dma_semaphore, #tpu.memory_space<semaphore_mem>> -> memref<!tpu.dma_semaphore, #tpu.memory_space<semaphore_mem>>
    %dma_start3A_68 = arith.constant 0 : i32
    %dma_start3A_69 = arith.constant 0 : i32
    %dma_start3A_70 = tpu.memref_slice %arg4[%dma_start3A_58, %dma_start3A_68, %dma_start3A_69] : memref<4x4x4096xf32, #tpu.memory_space<vmem>> -> memref<1x4x4096xf32, #tpu.memory_space<vmem>>
    %dma_start3A_71 = tpu.memref_squeeze %dma_start3A_70 : memref<1x4x4096xf32, #tpu.memory_space<vmem>> -> memref<4x4096xf32, #tpu.memory_space<vmem>>
    %dma_start3A_72 = arith.constant 0 : i32
    %dma_start3A_73 = tpu.memref_slice %arg2[%add3A_57, %dma_start3A_72] : memref<16384x4096xf32, #tpu.memory_space<hbm>> -> memref<4x4096xf32, #tpu.memory_space<hbm>>
    tpu.enqueue_dma source(%dma_start3A_73 : memref<4x4096xf32, #tpu.memory_space<hbm>>) target(%dma_start3A_71 : memref<4x4096xf32, #tpu.memory_space<vmem>>) target_semaphore(%dma_start3A_67 : memref<!tpu.dma_semaphore, #tpu.memory_space<semaphore_mem>>)
    %scan3A = arith.constant 0 : i32
    %scan3A_74 = arith.constant 0 : i32
    %scan3A_75 = arith.constant 32 : i32
    %scan3A_76 = arith.addi %scan3A_74, %scan3A_75 : i32
    %scan3A_77 = arith.constant 1 : i32
    scf.for %scan3A_150 = %scan3A_74 to %scan3A_76 step %scan3A_77  : i32 {
      %mul3A_151 = arith.constant 4 : i32
      %mul3A_152 = arith.muli %scan3A_150, %mul3A_151 : i32
      %add3A_153 = arith.constant 0 : i32
      %add3A_154 = arith.addi %mul3A_152, %add3A_153 : i32
      %mul3A_155 = arith.constant 4 : i32
      %mul3A_156 = arith.muli %add3A_154, %mul3A_155 : i32
      %add3A_157 = arith.addi %mul3A_2, %mul3A_156 : i32
      %dma_wait3A_158 = arith.constant 0 : i32
      %dma_wait3A_159 = arith.constant 0 : i32
      %dma_wait3A_160 = arith.constant 0 : i32
      %dma_wait3A_161 = arith.constant 0 : i32
      %dma_wait3A_162 = tpu.memref_slice %arg4[%dma_wait3A_158, %dma_wait3A_160, %dma_wait3A_161] : memref<4x4x4096xf32, #tpu.memory_space<vmem>> -> memref<1x4x4096xf32, #tpu.memory_space<vmem>>
      %dma_wait3A_163 = tpu.memref_squeeze %dma_wait3A_162 : memref<1x4x4096xf32, #tpu.memory_space<vmem>> -> memref<4x4096xf32, #tpu.memory_space<vmem>>
      %dma_wait3A_164 = arith.constant 0 : i32
      %dma_wait3A_165 = tpu.memref_slice %arg2[%add3A_157, %dma_wait3A_164] : memref<16384x4096xf32, #tpu.memory_space<hbm>> -> memref<4x4096xf32, #tpu.memory_space<hbm>>
      %dma_wait3A_166 = tpu.memref_slice %arg5[%dma_wait3A_159] : memref<4x!tpu.dma_semaphore, #tpu.memory_space<semaphore_mem>> -> memref<1x!tpu.dma_semaphore, #tpu.memory_space<semaphore_mem>>
      %dma_wait3A_167 = tpu.memref_squeeze %dma_wait3A_166 : memref<1x!tpu.dma_semaphore, #tpu.memory_space<semaphore_mem>> -> memref<!tpu.dma_semaphore, #tpu.memory_space<semaphore_mem>>
      %dma_wait3A_168 = arith.constant 0 : i32
      %dma_wait3A_169 = arith.constant 0 : i32
      %dma_wait3A_170 = tpu.memref_slice %arg4[%dma_wait3A_158, %dma_wait3A_168, %dma_wait3A_169] : memref<4x4x4096xf32, #tpu.memory_space<vmem>> -> memref<1x4x4096xf32, #tpu.memory_space<vmem>>
      %dma_wait3A_171 = tpu.memref_squeeze %dma_wait3A_170 : memref<1x4x4096xf32, #tpu.memory_space<vmem>> -> memref<4x4096xf32, #tpu.memory_space<vmem>>
      %dma_wait3A_172 = arith.constant 0 : i32
      %dma_wait3A_173 = tpu.memref_slice %arg2[%add3A_157, %dma_wait3A_172] : memref<16384x4096xf32, #tpu.memory_space<hbm>> -> memref<4x4096xf32, #tpu.memory_space<hbm>>
      tpu.wait_dma2 semaphore(%dma_wait3A_167 : memref<!tpu.dma_semaphore, #tpu.memory_space<semaphore_mem>>) src(%dma_wait3A_173 : memref<4x4096xf32, #tpu.memory_space<hbm>>) dst(%dma_wait3A_171 : memref<4x4096xf32, #tpu.memory_space<vmem>>)
      %add3A_174 = arith.constant 0 : i32
      %add3A_175 = arith.addi %mul3A_152, %add3A_174 : i32
      %mul3A_176 = arith.constant 4 : i32
      %mul3A_177 = arith.muli %add3A_175, %mul3A_176 : i32
      %add3A_178 = arith.addi %mul3A_2, %mul3A_177 : i32
      %dma_start3A_179 = arith.constant 0 : i32
      %dma_start3A_180 = arith.constant 0 : i32
      %dma_start3A_181 = arith.constant 0 : i32
      %dma_start3A_182 = arith.constant 0 : i32
      %dma_start3A_183 = tpu.memref_slice %arg4[%dma_start3A_179, %dma_start3A_181, %dma_start3A_182] : memref<4x4x4096xf32, #tpu.memory_space<vmem>> -> memref<1x4x4096xf32, #tpu.memory_space<vmem>>
      %dma_start3A_184 = tpu.memref_squeeze %dma_start3A_183 : memref<1x4x4096xf32, #tpu.memory_space<vmem>> -> memref<4x4096xf32, #tpu.memory_space<vmem>>
      %dma_start3A_185 = arith.constant 0 : i32
      %dma_start3A_186 = tpu.memref_slice %arg3[%add3A_178, %dma_start3A_185] : memref<16384x4096xf32, #tpu.memory_space<hbm>> -> memref<4x4096xf32, #tpu.memory_space<hbm>>
      %dma_start3A_187 = tpu.memref_slice %arg6[%dma_start3A_180] : memref<4x!tpu.dma_semaphore, #tpu.memory_space<semaphore_mem>> -> memref<1x!tpu.dma_semaphore, #tpu.memory_space<semaphore_mem>>
      %dma_start3A_188 = tpu.memref_squeeze %dma_start3A_187 : memref<1x!tpu.dma_semaphore, #tpu.memory_space<semaphore_mem>> -> memref<!tpu.dma_semaphore, #tpu.memory_space<semaphore_mem>>
      %dma_start3A_189 = arith.constant 0 : i32
      %dma_start3A_190 = tpu.memref_slice %arg3[%add3A_178, %dma_start3A_189] : memref<16384x4096xf32, #tpu.memory_space<hbm>> -> memref<4x4096xf32, #tpu.memory_space<hbm>>
      %dma_start3A_191 = arith.constant 0 : i32
      %dma_start3A_192 = arith.constant 0 : i32
      %dma_start3A_193 = tpu.memref_slice %arg4[%dma_start3A_179, %dma_start3A_191, %dma_start3A_192] : memref<4x4x4096xf32, #tpu.memory_space<vmem>> -> memref<1x4x4096xf32, #tpu.memory_space<vmem>>
      %dma_start3A_194 = tpu.memref_squeeze %dma_start3A_193 : memref<1x4x4096xf32, #tpu.memory_space<vmem>> -> memref<4x4096xf32, #tpu.memory_space<vmem>>
      tpu.enqueue_dma source(%dma_start3A_194 : memref<4x4096xf32, #tpu.memory_space<vmem>>) target(%dma_start3A_190 : memref<4x4096xf32, #tpu.memory_space<hbm>>) target_semaphore(%dma_start3A_188 : memref<!tpu.dma_semaphore, #tpu.memory_space<semaphore_mem>>)
      %add3A_195 = arith.constant 1 : i32
      %add3A_196 = arith.addi %mul3A_152, %add3A_195 : i32
      %mul3A_197 = arith.constant 4 : i32
      %mul3A_198 = arith.muli %add3A_196, %mul3A_197 : i32
      %add3A_199 = arith.addi %mul3A_2, %mul3A_198 : i32
      %dma_wait3A_200 = arith.constant 1 : i32
      %dma_wait3A_201 = arith.constant 1 : i32
      %dma_wait3A_202 = arith.constant 0 : i32
      %dma_wait3A_203 = arith.constant 0 : i32
      %dma_wait3A_204 = tpu.memref_slice %arg4[%dma_wait3A_200, %dma_wait3A_202, %dma_wait3A_203] : memref<4x4x4096xf32, #tpu.memory_space<vmem>> -> memref<1x4x4096xf32, #tpu.memory_space<vmem>>
      %dma_wait3A_205 = tpu.memref_squeeze %dma_wait3A_204 : memref<1x4x4096xf32, #tpu.memory_space<vmem>> -> memref<4x4096xf32, #tpu.memory_space<vmem>>
      %dma_wait3A_206 = arith.constant 0 : i32
      %dma_wait3A_207 = tpu.memref_slice %arg2[%add3A_199, %dma_wait3A_206] : memref<16384x4096xf32, #tpu.memory_space<hbm>> -> memref<4x4096xf32, #tpu.memory_space<hbm>>
      %dma_wait3A_208 = tpu.memref_slice %arg5[%dma_wait3A_201] : memref<4x!tpu.dma_semaphore, #tpu.memory_space<semaphore_mem>> -> memref<1x!tpu.dma_semaphore, #tpu.memory_space<semaphore_mem>>
      %dma_wait3A_209 = tpu.memref_squeeze %dma_wait3A_208 : memref<1x!tpu.dma_semaphore, #tpu.memory_space<semaphore_mem>> -> memref<!tpu.dma_semaphore, #tpu.memory_space<semaphore_mem>>
      %dma_wait3A_210 = arith.constant 0 : i32
      %dma_wait3A_211 = arith.constant 0 : i32
      %dma_wait3A_212 = tpu.memref_slice %arg4[%dma_wait3A_200, %dma_wait3A_210, %dma_wait3A_211] : memref<4x4x4096xf32, #tpu.memory_space<vmem>> -> memref<1x4x4096xf32, #tpu.memory_space<vmem>>
      %dma_wait3A_213 = tpu.memref_squeeze %dma_wait3A_212 : memref<1x4x4096xf32, #tpu.memory_space<vmem>> -> memref<4x4096xf32, #tpu.memory_space<vmem>>
      %dma_wait3A_214 = arith.constant 0 : i32
      %dma_wait3A_215 = tpu.memref_slice %arg2[%add3A_199, %dma_wait3A_214] : memref<16384x4096xf32, #tpu.memory_space<hbm>> -> memref<4x4096xf32, #tpu.memory_space<hbm>>
      tpu.wait_dma2 semaphore(%dma_wait3A_209 : memref<!tpu.dma_semaphore, #tpu.memory_space<semaphore_mem>>) src(%dma_wait3A_215 : memref<4x4096xf32, #tpu.memory_space<hbm>>) dst(%dma_wait3A_213 : memref<4x4096xf32, #tpu.memory_space<vmem>>)
      %add3A_216 = arith.constant 1 : i32
      %add3A_217 = arith.addi %mul3A_152, %add3A_216 : i32
      %mul3A_218 = arith.constant 4 : i32
      %mul3A_219 = arith.muli %add3A_217, %mul3A_218 : i32
      %add3A_220 = arith.addi %mul3A_2, %mul3A_219 : i32
      %dma_start3A_221 = arith.constant 1 : i32
      %dma_start3A_222 = arith.constant 1 : i32
      %dma_start3A_223 = arith.constant 0 : i32
      %dma_start3A_224 = arith.constant 0 : i32
      %dma_start3A_225 = tpu.memref_slice %arg4[%dma_start3A_221, %dma_start3A_223, %dma_start3A_224] : memref<4x4x4096xf32, #tpu.memory_space<vmem>> -> memref<1x4x4096xf32, #tpu.memory_space<vmem>>
      %dma_start3A_226 = tpu.memref_squeeze %dma_start3A_225 : memref<1x4x4096xf32, #tpu.memory_space<vmem>> -> memref<4x4096xf32, #tpu.memory_space<vmem>>
      %dma_start3A_227 = arith.constant 0 : i32
      %dma_start3A_228 = tpu.memref_slice %arg3[%add3A_220, %dma_start3A_227] : memref<16384x4096xf32, #tpu.memory_space<hbm>> -> memref<4x4096xf32, #tpu.memory_space<hbm>>
      %dma_start3A_229 = tpu.memref_slice %arg6[%dma_start3A_222] : memref<4x!tpu.dma_semaphore, #tpu.memory_space<semaphore_mem>> -> memref<1x!tpu.dma_semaphore, #tpu.memory_space<semaphore_mem>>
      %dma_start3A_230 = tpu.memref_squeeze %dma_start3A_229 : memref<1x!tpu.dma_semaphore, #tpu.memory_space<semaphore_mem>> -> memref<!tpu.dma_semaphore, #tpu.memory_space<semaphore_mem>>
      %dma_start3A_231 = arith.constant 0 : i32
      %dma_start3A_232 = tpu.memref_slice %arg3[%add3A_220, %dma_start3A_231] : memref<16384x4096xf32, #tpu.memory_space<hbm>> -> memref<4x4096xf32, #tpu.memory_space<hbm>>
      %dma_start3A_233 = arith.constant 0 : i32
      %dma_start3A_234 = arith.constant 0 : i32
      %dma_start3A_235 = tpu.memref_slice %arg4[%dma_start3A_221, %dma_start3A_233, %dma_start3A_234] : memref<4x4x4096xf32, #tpu.memory_space<vmem>> -> memref<1x4x4096xf32, #tpu.memory_space<vmem>>
      %dma_start3A_236 = tpu.memref_squeeze %dma_start3A_235 : memref<1x4x4096xf32, #tpu.memory_space<vmem>> -> memref<4x4096xf32, #tpu.memory_space<vmem>>
      tpu.enqueue_dma source(%dma_start3A_236 : memref<4x4096xf32, #tpu.memory_space<vmem>>) target(%dma_start3A_232 : memref<4x4096xf32, #tpu.memory_space<hbm>>) target_semaphore(%dma_start3A_230 : memref<!tpu.dma_semaphore, #tpu.memory_space<semaphore_mem>>)
      %add3A_237 = arith.constant 2 : i32
      %add3A_238 = arith.addi %mul3A_152, %add3A_237 : i32
      %mul3A_239 = arith.constant 4 : i32
      %mul3A_240 = arith.muli %add3A_238, %mul3A_239 : i32
      %add3A_241 = arith.addi %mul3A_2, %mul3A_240 : i32
      %dma_wait3A_242 = arith.constant 2 : i32
      %dma_wait3A_243 = arith.constant 2 : i32
      %dma_wait3A_244 = arith.constant 0 : i32
      %dma_wait3A_245 = arith.constant 0 : i32
      %dma_wait3A_246 = tpu.memref_slice %arg4[%dma_wait3A_242, %dma_wait3A_244, %dma_wait3A_245] : memref<4x4x4096xf32, #tpu.memory_space<vmem>> -> memref<1x4x4096xf32, #tpu.memory_space<vmem>>
      %dma_wait3A_247 = tpu.memref_squeeze %dma_wait3A_246 : memref<1x4x4096xf32, #tpu.memory_space<vmem>> -> memref<4x4096xf32, #tpu.memory_space<vmem>>
      %dma_wait3A_248 = arith.constant 0 : i32
      %dma_wait3A_249 = tpu.memref_slice %arg2[%add3A_241, %dma_wait3A_248] : memref<16384x4096xf32, #tpu.memory_space<hbm>> -> memref<4x4096xf32, #tpu.memory_space<hbm>>
      %dma_wait3A_250 = tpu.memref_slice %arg5[%dma_wait3A_243] : memref<4x!tpu.dma_semaphore, #tpu.memory_space<semaphore_mem>> -> memref<1x!tpu.dma_semaphore, #tpu.memory_space<semaphore_mem>>
      %dma_wait3A_251 = tpu.memref_squeeze %dma_wait3A_250 : memref<1x!tpu.dma_semaphore, #tpu.memory_space<semaphore_mem>> -> memref<!tpu.dma_semaphore, #tpu.memory_space<semaphore_mem>>
      %dma_wait3A_252 = arith.constant 0 : i32
      %dma_wait3A_253 = arith.constant 0 : i32
      %dma_wait3A_254 = tpu.memref_slice %arg4[%dma_wait3A_242, %dma_wait3A_252, %dma_wait3A_253] : memref<4x4x4096xf32, #tpu.memory_space<vmem>> -> memref<1x4x4096xf32, #tpu.memory_space<vmem>>
      %dma_wait3A_255 = tpu.memref_squeeze %dma_wait3A_254 : memref<1x4x4096xf32, #tpu.memory_space<vmem>> -> memref<4x4096xf32, #tpu.memory_space<vmem>>
      %dma_wait3A_256 = arith.constant 0 : i32
      %dma_wait3A_257 = tpu.memref_slice %arg2[%add3A_241, %dma_wait3A_256] : memref<16384x4096xf32, #tpu.memory_space<hbm>> -> memref<4x4096xf32, #tpu.memory_space<hbm>>
      tpu.wait_dma2 semaphore(%dma_wait3A_251 : memref<!tpu.dma_semaphore, #tpu.memory_space<semaphore_mem>>) src(%dma_wait3A_257 : memref<4x4096xf32, #tpu.memory_space<hbm>>) dst(%dma_wait3A_255 : memref<4x4096xf32, #tpu.memory_space<vmem>>)
      %add3A_258 = arith.constant 2 : i32
      %add3A_259 = arith.addi %mul3A_152, %add3A_258 : i32
      %mul3A_260 = arith.constant 4 : i32
      %mul3A_261 = arith.muli %add3A_259, %mul3A_260 : i32
      %add3A_262 = arith.addi %mul3A_2, %mul3A_261 : i32
      %dma_start3A_263 = arith.constant 2 : i32
      %dma_start3A_264 = arith.constant 2 : i32
      %dma_start3A_265 = arith.constant 0 : i32
      %dma_start3A_266 = arith.constant 0 : i32
      %dma_start3A_267 = tpu.memref_slice %arg4[%dma_start3A_263, %dma_start3A_265, %dma_start3A_266] : memref<4x4x4096xf32, #tpu.memory_space<vmem>> -> memref<1x4x4096xf32, #tpu.memory_space<vmem>>
      %dma_start3A_268 = tpu.memref_squeeze %dma_start3A_267 : memref<1x4x4096xf32, #tpu.memory_space<vmem>> -> memref<4x4096xf32, #tpu.memory_space<vmem>>
      %dma_start3A_269 = arith.constant 0 : i32
      %dma_start3A_270 = tpu.memref_slice %arg3[%add3A_262, %dma_start3A_269] : memref<16384x4096xf32, #tpu.memory_space<hbm>> -> memref<4x4096xf32, #tpu.memory_space<hbm>>
      %dma_start3A_271 = tpu.memref_slice %arg6[%dma_start3A_264] : memref<4x!tpu.dma_semaphore, #tpu.memory_space<semaphore_mem>> -> memref<1x!tpu.dma_semaphore, #tpu.memory_space<semaphore_mem>>
      %dma_start3A_272 = tpu.memref_squeeze %dma_start3A_271 : memref<1x!tpu.dma_semaphore, #tpu.memory_space<semaphore_mem>> -> memref<!tpu.dma_semaphore, #tpu.memory_space<semaphore_mem>>
      %dma_start3A_273 = arith.constant 0 : i32
      %dma_start3A_274 = tpu.memref_slice %arg3[%add3A_262, %dma_start3A_273] : memref<16384x4096xf32, #tpu.memory_space<hbm>> -> memref<4x4096xf32, #tpu.memory_space<hbm>>
      %dma_start3A_275 = arith.constant 0 : i32
      %dma_start3A_276 = arith.constant 0 : i32
      %dma_start3A_277 = tpu.memref_slice %arg4[%dma_start3A_263, %dma_start3A_275, %dma_start3A_276] : memref<4x4x4096xf32, #tpu.memory_space<vmem>> -> memref<1x4x4096xf32, #tpu.memory_space<vmem>>
      %dma_start3A_278 = tpu.memref_squeeze %dma_start3A_277 : memref<1x4x4096xf32, #tpu.memory_space<vmem>> -> memref<4x4096xf32, #tpu.memory_space<vmem>>
      tpu.enqueue_dma source(%dma_start3A_278 : memref<4x4096xf32, #tpu.memory_space<vmem>>) target(%dma_start3A_274 : memref<4x4096xf32, #tpu.memory_space<hbm>>) target_semaphore(%dma_start3A_272 : memref<!tpu.dma_semaphore, #tpu.memory_space<semaphore_mem>>)
      %add3A_279 = arith.constant 3 : i32
      %add3A_280 = arith.addi %mul3A_152, %add3A_279 : i32
      %mul3A_281 = arith.constant 4 : i32
      %mul3A_282 = arith.muli %add3A_280, %mul3A_281 : i32
      %add3A_283 = arith.addi %mul3A_2, %mul3A_282 : i32
      %dma_wait3A_284 = arith.constant 3 : i32
      %dma_wait3A_285 = arith.constant 3 : i32
      %dma_wait3A_286 = arith.constant 0 : i32
      %dma_wait3A_287 = arith.constant 0 : i32
      %dma_wait3A_288 = tpu.memref_slice %arg4[%dma_wait3A_284, %dma_wait3A_286, %dma_wait3A_287] : memref<4x4x4096xf32, #tpu.memory_space<vmem>> -> memref<1x4x4096xf32, #tpu.memory_space<vmem>>
      %dma_wait3A_289 = tpu.memref_squeeze %dma_wait3A_288 : memref<1x4x4096xf32, #tpu.memory_space<vmem>> -> memref<4x4096xf32, #tpu.memory_space<vmem>>
      %dma_wait3A_290 = arith.constant 0 : i32
      %dma_wait3A_291 = tpu.memref_slice %arg2[%add3A_283, %dma_wait3A_290] : memref<16384x4096xf32, #tpu.memory_space<hbm>> -> memref<4x4096xf32, #tpu.memory_space<hbm>>
      %dma_wait3A_292 = tpu.memref_slice %arg5[%dma_wait3A_285] : memref<4x!tpu.dma_semaphore, #tpu.memory_space<semaphore_mem>> -> memref<1x!tpu.dma_semaphore, #tpu.memory_space<semaphore_mem>>
      %dma_wait3A_293 = tpu.memref_squeeze %dma_wait3A_292 : memref<1x!tpu.dma_semaphore, #tpu.memory_space<semaphore_mem>> -> memref<!tpu.dma_semaphore, #tpu.memory_space<semaphore_mem>>
      %dma_wait3A_294 = arith.constant 0 : i32
      %dma_wait3A_295 = arith.constant 0 : i32
      %dma_wait3A_296 = tpu.memref_slice %arg4[%dma_wait3A_284, %dma_wait3A_294, %dma_wait3A_295] : memref<4x4x4096xf32, #tpu.memory_space<vmem>> -> memref<1x4x4096xf32, #tpu.memory_space<vmem>>
      %dma_wait3A_297 = tpu.memref_squeeze %dma_wait3A_296 : memref<1x4x4096xf32, #tpu.memory_space<vmem>> -> memref<4x4096xf32, #tpu.memory_space<vmem>>
      %dma_wait3A_298 = arith.constant 0 : i32
      %dma_wait3A_299 = tpu.memref_slice %arg2[%add3A_283, %dma_wait3A_298] : memref<16384x4096xf32, #tpu.memory_space<hbm>> -> memref<4x4096xf32, #tpu.memory_space<hbm>>
      tpu.wait_dma2 semaphore(%dma_wait3A_293 : memref<!tpu.dma_semaphore, #tpu.memory_space<semaphore_mem>>) src(%dma_wait3A_299 : memref<4x4096xf32, #tpu.memory_space<hbm>>) dst(%dma_wait3A_297 : memref<4x4096xf32, #tpu.memory_space<vmem>>)
      %add3A_300 = arith.constant 3 : i32
      %add3A_301 = arith.addi %mul3A_152, %add3A_300 : i32
      %mul3A_302 = arith.constant 4 : i32
      %mul3A_303 = arith.muli %add3A_301, %mul3A_302 : i32
      %add3A_304 = arith.addi %mul3A_2, %mul3A_303 : i32
      %dma_start3A_305 = arith.constant 3 : i32
      %dma_start3A_306 = arith.constant 3 : i32
      %dma_start3A_307 = arith.constant 0 : i32
      %dma_start3A_308 = arith.constant 0 : i32
      %dma_start3A_309 = tpu.memref_slice %arg4[%dma_start3A_305, %dma_start3A_307, %dma_start3A_308] : memref<4x4x4096xf32, #tpu.memory_space<vmem>> -> memref<1x4x4096xf32, #tpu.memory_space<vmem>>
      %dma_start3A_310 = tpu.memref_squeeze %dma_start3A_309 : memref<1x4x4096xf32, #tpu.memory_space<vmem>> -> memref<4x4096xf32, #tpu.memory_space<vmem>>
      %dma_start3A_311 = arith.constant 0 : i32
      %dma_start3A_312 = tpu.memref_slice %arg3[%add3A_304, %dma_start3A_311] : memref<16384x4096xf32, #tpu.memory_space<hbm>> -> memref<4x4096xf32, #tpu.memory_space<hbm>>
      %dma_start3A_313 = tpu.memref_slice %arg6[%dma_start3A_306] : memref<4x!tpu.dma_semaphore, #tpu.memory_space<semaphore_mem>> -> memref<1x!tpu.dma_semaphore, #tpu.memory_space<semaphore_mem>>
      %dma_start3A_314 = tpu.memref_squeeze %dma_start3A_313 : memref<1x!tpu.dma_semaphore, #tpu.memory_space<semaphore_mem>> -> memref<!tpu.dma_semaphore, #tpu.memory_space<semaphore_mem>>
      %dma_start3A_315 = arith.constant 0 : i32
      %dma_start3A_316 = tpu.memref_slice %arg3[%add3A_304, %dma_start3A_315] : memref<16384x4096xf32, #tpu.memory_space<hbm>> -> memref<4x4096xf32, #tpu.memory_space<hbm>>
      %dma_start3A_317 = arith.constant 0 : i32
      %dma_start3A_318 = arith.constant 0 : i32
      %dma_start3A_319 = tpu.memref_slice %arg4[%dma_start3A_305, %dma_start3A_317, %dma_start3A_318] : memref<4x4x4096xf32, #tpu.memory_space<vmem>> -> memref<1x4x4096xf32, #tpu.memory_space<vmem>>
      %dma_start3A_320 = tpu.memref_squeeze %dma_start3A_319 : memref<1x4x4096xf32, #tpu.memory_space<vmem>> -> memref<4x4096xf32, #tpu.memory_space<vmem>>
      tpu.enqueue_dma source(%dma_start3A_320 : memref<4x4096xf32, #tpu.memory_space<vmem>>) target(%dma_start3A_316 : memref<4x4096xf32, #tpu.memory_space<hbm>>) target_semaphore(%dma_start3A_314 : memref<!tpu.dma_semaphore, #tpu.memory_space<semaphore_mem>>)
      %add3A_321 = arith.constant 0 : i32
      %add3A_322 = arith.addi %mul3A_152, %add3A_321 : i32
      %add3A_323 = arith.constant 4 : i32
      %add3A_324 = arith.addi %add3A_322, %add3A_323 : i32
      %lt3A = arith.constant 128 : i32
      %lt3A_325 = arith.cmpi slt, %add3A_324, %lt3A : i32
      %convert_element_type3A = arith.extui %lt3A_325 : i1 to i32
      %cond3A = arith.constant 0 : i32
      %cond3A_326 = arith.cmpi ne, %convert_element_type3A, %cond3A : i32
      scf.if %cond3A_326 {
        %add3A_354 = arith.constant 0 : i32
        %add3A_355 = arith.addi %mul3A_152, %add3A_354 : i32
        %mul3A_356 = arith.constant 4 : i32
        %mul3A_357 = arith.muli %add3A_355, %mul3A_356 : i32
        %add3A_358 = arith.addi %mul3A_2, %mul3A_357 : i32
        %dma_wait3A_359 = arith.constant 0 : i32
        %dma_wait3A_360 = arith.constant 0 : i32
        %dma_wait3A_361 = arith.constant 0 : i32
        %dma_wait3A_362 = arith.constant 0 : i32
        %dma_wait3A_363 = tpu.memref_slice %arg4[%dma_wait3A_359, %dma_wait3A_361, %dma_wait3A_362] : memref<4x4x4096xf32, #tpu.memory_space<vmem>> -> memref<1x4x4096xf32, #tpu.memory_space<vmem>>
        %dma_wait3A_364 = tpu.memref_squeeze %dma_wait3A_363 : memref<1x4x4096xf32, #tpu.memory_space<vmem>> -> memref<4x4096xf32, #tpu.memory_space<vmem>>
        %dma_wait3A_365 = arith.constant 0 : i32
        %dma_wait3A_366 = tpu.memref_slice %arg3[%add3A_358, %dma_wait3A_365] : memref<16384x4096xf32, #tpu.memory_space<hbm>> -> memref<4x4096xf32, #tpu.memory_space<hbm>>
        %dma_wait3A_367 = tpu.memref_slice %arg6[%dma_wait3A_360] : memref<4x!tpu.dma_semaphore, #tpu.memory_space<semaphore_mem>> -> memref<1x!tpu.dma_semaphore, #tpu.memory_space<semaphore_mem>>
        %dma_wait3A_368 = tpu.memref_squeeze %dma_wait3A_367 : memref<1x!tpu.dma_semaphore, #tpu.memory_space<semaphore_mem>> -> memref<!tpu.dma_semaphore, #tpu.memory_space<semaphore_mem>>
        %dma_wait3A_369 = arith.constant 0 : i32
        %dma_wait3A_370 = tpu.memref_slice %arg3[%add3A_358, %dma_wait3A_369] : memref<16384x4096xf32, #tpu.memory_space<hbm>> -> memref<4x4096xf32, #tpu.memory_space<hbm>>
        %dma_wait3A_371 = arith.constant 0 : i32
        %dma_wait3A_372 = arith.constant 0 : i32
        %dma_wait3A_373 = tpu.memref_slice %arg4[%dma_wait3A_359, %dma_wait3A_371, %dma_wait3A_372] : memref<4x4x4096xf32, #tpu.memory_space<vmem>> -> memref<1x4x4096xf32, #tpu.memory_space<vmem>>
        %dma_wait3A_374 = tpu.memref_squeeze %dma_wait3A_373 : memref<1x4x4096xf32, #tpu.memory_space<vmem>> -> memref<4x4096xf32, #tpu.memory_space<vmem>>
        tpu.wait_dma2 semaphore(%dma_wait3A_368 : memref<!tpu.dma_semaphore, #tpu.memory_space<semaphore_mem>>) src(%dma_wait3A_374 : memref<4x4096xf32, #tpu.memory_space<vmem>>) dst(%dma_wait3A_370 : memref<4x4096xf32, #tpu.memory_space<hbm>>)
        %mul3A_375 = arith.constant 4 : i32
        %mul3A_376 = arith.muli %add3A_324, %mul3A_375 : i32
        %add3A_377 = arith.addi %mul3A_2, %mul3A_376 : i32
        %dma_start3A_378 = arith.constant 0 : i32
        %dma_start3A_379 = arith.constant 0 : i32
        %dma_start3A_380 = arith.constant 0 : i32
        %dma_start3A_381 = arith.constant 0 : i32
        %dma_start3A_382 = tpu.memref_slice %arg4[%dma_start3A_378, %dma_start3A_380, %dma_start3A_381] : memref<4x4x4096xf32, #tpu.memory_space<vmem>> -> memref<1x4x4096xf32, #tpu.memory_space<vmem>>
        %dma_start3A_383 = tpu.memref_squeeze %dma_start3A_382 : memref<1x4x4096xf32, #tpu.memory_space<vmem>> -> memref<4x4096xf32, #tpu.memory_space<vmem>>
        %dma_start3A_384 = arith.constant 0 : i32
        %dma_start3A_385 = tpu.memref_slice %arg2[%add3A_377, %dma_start3A_384] : memref<16384x4096xf32, #tpu.memory_space<hbm>> -> memref<4x4096xf32, #tpu.memory_space<hbm>>
        %dma_start3A_386 = tpu.memref_slice %arg5[%dma_start3A_379] : memref<4x!tpu.dma_semaphore, #tpu.memory_space<semaphore_mem>> -> memref<1x!tpu.dma_semaphore, #tpu.memory_space<semaphore_mem>>
        %dma_start3A_387 = tpu.memref_squeeze %dma_start3A_386 : memref<1x!tpu.dma_semaphore, #tpu.memory_space<semaphore_mem>> -> memref<!tpu.dma_semaphore, #tpu.memory_space<semaphore_mem>>
        %dma_start3A_388 = arith.constant 0 : i32
        %dma_start3A_389 = arith.constant 0 : i32
        %dma_start3A_390 = tpu.memref_slice %arg4[%dma_start3A_378, %dma_start3A_388, %dma_start3A_389] : memref<4x4x4096xf32, #tpu.memory_space<vmem>> -> memref<1x4x4096xf32, #tpu.memory_space<vmem>>
        %dma_start3A_391 = tpu.memref_squeeze %dma_start3A_390 : memref<1x4x4096xf32, #tpu.memory_space<vmem>> -> memref<4x4096xf32, #tpu.memory_space<vmem>>
        %dma_start3A_392 = arith.constant 0 : i32
        %dma_start3A_393 = tpu.memref_slice %arg2[%add3A_377, %dma_start3A_392] : memref<16384x4096xf32, #tpu.memory_space<hbm>> -> memref<4x4096xf32, #tpu.memory_space<hbm>>
        tpu.enqueue_dma source(%dma_start3A_393 : memref<4x4096xf32, #tpu.memory_space<hbm>>) target(%dma_start3A_391 : memref<4x4096xf32, #tpu.memory_space<vmem>>) target_semaphore(%dma_start3A_387 : memref<!tpu.dma_semaphore, #tpu.memory_space<semaphore_mem>>)
      } else {
      }
      %add3A_327 = arith.constant 1 : i32
      %add3A_328 = arith.addi %mul3A_152, %add3A_327 : i32
      %add3A_329 = arith.constant 4 : i32
      %add3A_330 = arith.addi %add3A_328, %add3A_329 : i32
      %lt3A_331 = arith.constant 128 : i32
      %lt3A_332 = arith.cmpi slt, %add3A_330, %lt3A_331 : i32
      %convert_element_type3A_333 = arith.extui %lt3A_332 : i1 to i32
      %cond3A_334 = arith.constant 0 : i32
      %cond3A_335 = arith.cmpi ne, %convert_element_type3A_333, %cond3A_334 : i32
      scf.if %cond3A_335 {
        %add3A_354 = arith.constant 1 : i32
        %add3A_355 = arith.addi %mul3A_152, %add3A_354 : i32
        %mul3A_356 = arith.constant 4 : i32
        %mul3A_357 = arith.muli %add3A_355, %mul3A_356 : i32
        %add3A_358 = arith.addi %mul3A_2, %mul3A_357 : i32
        %dma_wait3A_359 = arith.constant 1 : i32
        %dma_wait3A_360 = arith.constant 1 : i32
        %dma_wait3A_361 = arith.constant 0 : i32
        %dma_wait3A_362 = arith.constant 0 : i32
        %dma_wait3A_363 = tpu.memref_slice %arg4[%dma_wait3A_359, %dma_wait3A_361, %dma_wait3A_362] : memref<4x4x4096xf32, #tpu.memory_space<vmem>> -> memref<1x4x4096xf32, #tpu.memory_space<vmem>>
        %dma_wait3A_364 = tpu.memref_squeeze %dma_wait3A_363 : memref<1x4x4096xf32, #tpu.memory_space<vmem>> -> memref<4x4096xf32, #tpu.memory_space<vmem>>
        %dma_wait3A_365 = arith.constant 0 : i32
        %dma_wait3A_366 = tpu.memref_slice %arg3[%add3A_358, %dma_wait3A_365] : memref<16384x4096xf32, #tpu.memory_space<hbm>> -> memref<4x4096xf32, #tpu.memory_space<hbm>>
        %dma_wait3A_367 = tpu.memref_slice %arg6[%dma_wait3A_360] : memref<4x!tpu.dma_semaphore, #tpu.memory_space<semaphore_mem>> -> memref<1x!tpu.dma_semaphore, #tpu.memory_space<semaphore_mem>>
        %dma_wait3A_368 = tpu.memref_squeeze %dma_wait3A_367 : memref<1x!tpu.dma_semaphore, #tpu.memory_space<semaphore_mem>> -> memref<!tpu.dma_semaphore, #tpu.memory_space<semaphore_mem>>
        %dma_wait3A_369 = arith.constant 0 : i32
        %dma_wait3A_370 = tpu.memref_slice %arg3[%add3A_358, %dma_wait3A_369] : memref<16384x4096xf32, #tpu.memory_space<hbm>> -> memref<4x4096xf32, #tpu.memory_space<hbm>>
        %dma_wait3A_371 = arith.constant 0 : i32
        %dma_wait3A_372 = arith.constant 0 : i32
        %dma_wait3A_373 = tpu.memref_slice %arg4[%dma_wait3A_359, %dma_wait3A_371, %dma_wait3A_372] : memref<4x4x4096xf32, #tpu.memory_space<vmem>> -> memref<1x4x4096xf32, #tpu.memory_space<vmem>>
        %dma_wait3A_374 = tpu.memref_squeeze %dma_wait3A_373 : memref<1x4x4096xf32, #tpu.memory_space<vmem>> -> memref<4x4096xf32, #tpu.memory_space<vmem>>
        tpu.wait_dma2 semaphore(%dma_wait3A_368 : memref<!tpu.dma_semaphore, #tpu.memory_space<semaphore_mem>>) src(%dma_wait3A_374 : memref<4x4096xf32, #tpu.memory_space<vmem>>) dst(%dma_wait3A_370 : memref<4x4096xf32, #tpu.memory_space<hbm>>)
        %mul3A_375 = arith.constant 4 : i32
        %mul3A_376 = arith.muli %add3A_330, %mul3A_375 : i32
        %add3A_377 = arith.addi %mul3A_2, %mul3A_376 : i32
        %dma_start3A_378 = arith.constant 1 : i32
        %dma_start3A_379 = arith.constant 1 : i32
        %dma_start3A_380 = arith.constant 0 : i32
        %dma_start3A_381 = arith.constant 0 : i32
        %dma_start3A_382 = tpu.memref_slice %arg4[%dma_start3A_378, %dma_start3A_380, %dma_start3A_381] : memref<4x4x4096xf32, #tpu.memory_space<vmem>> -> memref<1x4x4096xf32, #tpu.memory_space<vmem>>
        %dma_start3A_383 = tpu.memref_squeeze %dma_start3A_382 : memref<1x4x4096xf32, #tpu.memory_space<vmem>> -> memref<4x4096xf32, #tpu.memory_space<vmem>>
        %dma_start3A_384 = arith.constant 0 : i32
        %dma_start3A_385 = tpu.memref_slice %arg2[%add3A_377, %dma_start3A_384] : memref<16384x4096xf32, #tpu.memory_space<hbm>> -> memref<4x4096xf32, #tpu.memory_space<hbm>>
        %dma_start3A_386 = tpu.memref_slice %arg5[%dma_start3A_379] : memref<4x!tpu.dma_semaphore, #tpu.memory_space<semaphore_mem>> -> memref<1x!tpu.dma_semaphore, #tpu.memory_space<semaphore_mem>>
        %dma_start3A_387 = tpu.memref_squeeze %dma_start3A_386 : memref<1x!tpu.dma_semaphore, #tpu.memory_space<semaphore_mem>> -> memref<!tpu.dma_semaphore, #tpu.memory_space<semaphore_mem>>
        %dma_start3A_388 = arith.constant 0 : i32
        %dma_start3A_389 = arith.constant 0 : i32
        %dma_start3A_390 = tpu.memref_slice %arg4[%dma_start3A_378, %dma_start3A_388, %dma_start3A_389] : memref<4x4x4096xf32, #tpu.memory_space<vmem>> -> memref<1x4x4096xf32, #tpu.memory_space<vmem>>
        %dma_start3A_391 = tpu.memref_squeeze %dma_start3A_390 : memref<1x4x4096xf32, #tpu.memory_space<vmem>> -> memref<4x4096xf32, #tpu.memory_space<vmem>>
        %dma_start3A_392 = arith.constant 0 : i32
        %dma_start3A_393 = tpu.memref_slice %arg2[%add3A_377, %dma_start3A_392] : memref<16384x4096xf32, #tpu.memory_space<hbm>> -> memref<4x4096xf32, #tpu.memory_space<hbm>>
        tpu.enqueue_dma source(%dma_start3A_393 : memref<4x4096xf32, #tpu.memory_space<hbm>>) target(%dma_start3A_391 : memref<4x4096xf32, #tpu.memory_space<vmem>>) target_semaphore(%dma_start3A_387 : memref<!tpu.dma_semaphore, #tpu.memory_space<semaphore_mem>>)
      } else {
      }
      %add3A_336 = arith.constant 2 : i32
      %add3A_337 = arith.addi %mul3A_152, %add3A_336 : i32
      %add3A_338 = arith.constant 4 : i32
      %add3A_339 = arith.addi %add3A_337, %add3A_338 : i32
      %lt3A_340 = arith.constant 128 : i32
      %lt3A_341 = arith.cmpi slt, %add3A_339, %lt3A_340 : i32
      %convert_element_type3A_342 = arith.extui %lt3A_341 : i1 to i32
      %cond3A_343 = arith.constant 0 : i32
      %cond3A_344 = arith.cmpi ne, %convert_element_type3A_342, %cond3A_343 : i32
      scf.if %cond3A_344 {
        %add3A_354 = arith.constant 2 : i32
        %add3A_355 = arith.addi %mul3A_152, %add3A_354 : i32
        %mul3A_356 = arith.constant 4 : i32
        %mul3A_357 = arith.muli %add3A_355, %mul3A_356 : i32
        %add3A_358 = arith.addi %mul3A_2, %mul3A_357 : i32
        %dma_wait3A_359 = arith.constant 2 : i32
        %dma_wait3A_360 = arith.constant 2 : i32
        %dma_wait3A_361 = arith.constant 0 : i32
        %dma_wait3A_362 = arith.constant 0 : i32
        %dma_wait3A_363 = tpu.memref_slice %arg4[%dma_wait3A_359, %dma_wait3A_361, %dma_wait3A_362] : memref<4x4x4096xf32, #tpu.memory_space<vmem>> -> memref<1x4x4096xf32, #tpu.memory_space<vmem>>
        %dma_wait3A_364 = tpu.memref_squeeze %dma_wait3A_363 : memref<1x4x4096xf32, #tpu.memory_space<vmem>> -> memref<4x4096xf32, #tpu.memory_space<vmem>>
        %dma_wait3A_365 = arith.constant 0 : i32
        %dma_wait3A_366 = tpu.memref_slice %arg3[%add3A_358, %dma_wait3A_365] : memref<16384x4096xf32, #tpu.memory_space<hbm>> -> memref<4x4096xf32, #tpu.memory_space<hbm>>
        %dma_wait3A_367 = tpu.memref_slice %arg6[%dma_wait3A_360] : memref<4x!tpu.dma_semaphore, #tpu.memory_space<semaphore_mem>> -> memref<1x!tpu.dma_semaphore, #tpu.memory_space<semaphore_mem>>
        %dma_wait3A_368 = tpu.memref_squeeze %dma_wait3A_367 : memref<1x!tpu.dma_semaphore, #tpu.memory_space<semaphore_mem>> -> memref<!tpu.dma_semaphore, #tpu.memory_space<semaphore_mem>>
        %dma_wait3A_369 = arith.constant 0 : i32
        %dma_wait3A_370 = tpu.memref_slice %arg3[%add3A_358, %dma_wait3A_369] : memref<16384x4096xf32, #tpu.memory_space<hbm>> -> memref<4x4096xf32, #tpu.memory_space<hbm>>
        %dma_wait3A_371 = arith.constant 0 : i32
        %dma_wait3A_372 = arith.constant 0 : i32
        %dma_wait3A_373 = tpu.memref_slice %arg4[%dma_wait3A_359, %dma_wait3A_371, %dma_wait3A_372] : memref<4x4x4096xf32, #tpu.memory_space<vmem>> -> memref<1x4x4096xf32, #tpu.memory_space<vmem>>
        %dma_wait3A_374 = tpu.memref_squeeze %dma_wait3A_373 : memref<1x4x4096xf32, #tpu.memory_space<vmem>> -> memref<4x4096xf32, #tpu.memory_space<vmem>>
        tpu.wait_dma2 semaphore(%dma_wait3A_368 : memref<!tpu.dma_semaphore, #tpu.memory_space<semaphore_mem>>) src(%dma_wait3A_374 : memref<4x4096xf32, #tpu.memory_space<vmem>>) dst(%dma_wait3A_370 : memref<4x4096xf32, #tpu.memory_space<hbm>>)
        %mul3A_375 = arith.constant 4 : i32
        %mul3A_376 = arith.muli %add3A_339, %mul3A_375 : i32
        %add3A_377 = arith.addi %mul3A_2, %mul3A_376 : i32
        %dma_start3A_378 = arith.constant 2 : i32
        %dma_start3A_379 = arith.constant 2 : i32
        %dma_start3A_380 = arith.constant 0 : i32
        %dma_start3A_381 = arith.constant 0 : i32
        %dma_start3A_382 = tpu.memref_slice %arg4[%dma_start3A_378, %dma_start3A_380, %dma_start3A_381] : memref<4x4x4096xf32, #tpu.memory_space<vmem>> -> memref<1x4x4096xf32, #tpu.memory_space<vmem>>
        %dma_start3A_383 = tpu.memref_squeeze %dma_start3A_382 : memref<1x4x4096xf32, #tpu.memory_space<vmem>> -> memref<4x4096xf32, #tpu.memory_space<vmem>>
        %dma_start3A_384 = arith.constant 0 : i32
        %dma_start3A_385 = tpu.memref_slice %arg2[%add3A_377, %dma_start3A_384] : memref<16384x4096xf32, #tpu.memory_space<hbm>> -> memref<4x4096xf32, #tpu.memory_space<hbm>>
        %dma_start3A_386 = tpu.memref_slice %arg5[%dma_start3A_379] : memref<4x!tpu.dma_semaphore, #tpu.memory_space<semaphore_mem>> -> memref<1x!tpu.dma_semaphore, #tpu.memory_space<semaphore_mem>>
        %dma_start3A_387 = tpu.memref_squeeze %dma_start3A_386 : memref<1x!tpu.dma_semaphore, #tpu.memory_space<semaphore_mem>> -> memref<!tpu.dma_semaphore, #tpu.memory_space<semaphore_mem>>
        %dma_start3A_388 = arith.constant 0 : i32
        %dma_start3A_389 = arith.constant 0 : i32
        %dma_start3A_390 = tpu.memref_slice %arg4[%dma_start3A_378, %dma_start3A_388, %dma_start3A_389] : memref<4x4x4096xf32, #tpu.memory_space<vmem>> -> memref<1x4x4096xf32, #tpu.memory_space<vmem>>
        %dma_start3A_391 = tpu.memref_squeeze %dma_start3A_390 : memref<1x4x4096xf32, #tpu.memory_space<vmem>> -> memref<4x4096xf32, #tpu.memory_space<vmem>>
        %dma_start3A_392 = arith.constant 0 : i32
        %dma_start3A_393 = tpu.memref_slice %arg2[%add3A_377, %dma_start3A_392] : memref<16384x4096xf32, #tpu.memory_space<hbm>> -> memref<4x4096xf32, #tpu.memory_space<hbm>>
        tpu.enqueue_dma source(%dma_start3A_393 : memref<4x4096xf32, #tpu.memory_space<hbm>>) target(%dma_start3A_391 : memref<4x4096xf32, #tpu.memory_space<vmem>>) target_semaphore(%dma_start3A_387 : memref<!tpu.dma_semaphore, #tpu.memory_space<semaphore_mem>>)
      } else {
      }
      %add3A_345 = arith.constant 3 : i32
      %add3A_346 = arith.addi %mul3A_152, %add3A_345 : i32
      %add3A_347 = arith.constant 4 : i32
      %add3A_348 = arith.addi %add3A_346, %add3A_347 : i32
      %lt3A_349 = arith.constant 128 : i32
      %lt3A_350 = arith.cmpi slt, %add3A_348, %lt3A_349 : i32
      %convert_element_type3A_351 = arith.extui %lt3A_350 : i1 to i32
      %cond3A_352 = arith.constant 0 : i32
      %cond3A_353 = arith.cmpi ne, %convert_element_type3A_351, %cond3A_352 : i32
      scf.if %cond3A_353 {
        %add3A_354 = arith.constant 3 : i32
        %add3A_355 = arith.addi %mul3A_152, %add3A_354 : i32
        %mul3A_356 = arith.constant 4 : i32
        %mul3A_357 = arith.muli %add3A_355, %mul3A_356 : i32
        %add3A_358 = arith.addi %mul3A_2, %mul3A_357 : i32
        %dma_wait3A_359 = arith.constant 3 : i32
        %dma_wait3A_360 = arith.constant 3 : i32
        %dma_wait3A_361 = arith.constant 0 : i32
        %dma_wait3A_362 = arith.constant 0 : i32
        %dma_wait3A_363 = tpu.memref_slice %arg4[%dma_wait3A_359, %dma_wait3A_361, %dma_wait3A_362] : memref<4x4x4096xf32, #tpu.memory_space<vmem>> -> memref<1x4x4096xf32, #tpu.memory_space<vmem>>
        %dma_wait3A_364 = tpu.memref_squeeze %dma_wait3A_363 : memref<1x4x4096xf32, #tpu.memory_space<vmem>> -> memref<4x4096xf32, #tpu.memory_space<vmem>>
        %dma_wait3A_365 = arith.constant 0 : i32
        %dma_wait3A_366 = tpu.memref_slice %arg3[%add3A_358, %dma_wait3A_365] : memref<16384x4096xf32, #tpu.memory_space<hbm>> -> memref<4x4096xf32, #tpu.memory_space<hbm>>
        %dma_wait3A_367 = tpu.memref_slice %arg6[%dma_wait3A_360] : memref<4x!tpu.dma_semaphore, #tpu.memory_space<semaphore_mem>> -> memref<1x!tpu.dma_semaphore, #tpu.memory_space<semaphore_mem>>
        %dma_wait3A_368 = tpu.memref_squeeze %dma_wait3A_367 : memref<1x!tpu.dma_semaphore, #tpu.memory_space<semaphore_mem>> -> memref<!tpu.dma_semaphore, #tpu.memory_space<semaphore_mem>>
        %dma_wait3A_369 = arith.constant 0 : i32
        %dma_wait3A_370 = tpu.memref_slice %arg3[%add3A_358, %dma_wait3A_369] : memref<16384x4096xf32, #tpu.memory_space<hbm>> -> memref<4x4096xf32, #tpu.memory_space<hbm>>
        %dma_wait3A_371 = arith.constant 0 : i32
        %dma_wait3A_372 = arith.constant 0 : i32
        %dma_wait3A_373 = tpu.memref_slice %arg4[%dma_wait3A_359, %dma_wait3A_371, %dma_wait3A_372] : memref<4x4x4096xf32, #tpu.memory_space<vmem>> -> memref<1x4x4096xf32, #tpu.memory_space<vmem>>
        %dma_wait3A_374 = tpu.memref_squeeze %dma_wait3A_373 : memref<1x4x4096xf32, #tpu.memory_space<vmem>> -> memref<4x4096xf32, #tpu.memory_space<vmem>>
        tpu.wait_dma2 semaphore(%dma_wait3A_368 : memref<!tpu.dma_semaphore, #tpu.memory_space<semaphore_mem>>) src(%dma_wait3A_374 : memref<4x4096xf32, #tpu.memory_space<vmem>>) dst(%dma_wait3A_370 : memref<4x4096xf32, #tpu.memory_space<hbm>>)
        %mul3A_375 = arith.constant 4 : i32
        %mul3A_376 = arith.muli %add3A_348, %mul3A_375 : i32
        %add3A_377 = arith.addi %mul3A_2, %mul3A_376 : i32
        %dma_start3A_378 = arith.constant 3 : i32
        %dma_start3A_379 = arith.constant 3 : i32
        %dma_start3A_380 = arith.constant 0 : i32
        %dma_start3A_381 = arith.constant 0 : i32
        %dma_start3A_382 = tpu.memref_slice %arg4[%dma_start3A_378, %dma_start3A_380, %dma_start3A_381] : memref<4x4x4096xf32, #tpu.memory_space<vmem>> -> memref<1x4x4096xf32, #tpu.memory_space<vmem>>
        %dma_start3A_383 = tpu.memref_squeeze %dma_start3A_382 : memref<1x4x4096xf32, #tpu.memory_space<vmem>> -> memref<4x4096xf32, #tpu.memory_space<vmem>>
        %dma_start3A_384 = arith.constant 0 : i32
        %dma_start3A_385 = tpu.memref_slice %arg2[%add3A_377, %dma_start3A_384] : memref<16384x4096xf32, #tpu.memory_space<hbm>> -> memref<4x4096xf32, #tpu.memory_space<hbm>>
        %dma_start3A_386 = tpu.memref_slice %arg5[%dma_start3A_379] : memref<4x!tpu.dma_semaphore, #tpu.memory_space<semaphore_mem>> -> memref<1x!tpu.dma_semaphore, #tpu.memory_space<semaphore_mem>>
        %dma_start3A_387 = tpu.memref_squeeze %dma_start3A_386 : memref<1x!tpu.dma_semaphore, #tpu.memory_space<semaphore_mem>> -> memref<!tpu.dma_semaphore, #tpu.memory_space<semaphore_mem>>
        %dma_start3A_388 = arith.constant 0 : i32
        %dma_start3A_389 = arith.constant 0 : i32
        %dma_start3A_390 = tpu.memref_slice %arg4[%dma_start3A_378, %dma_start3A_388, %dma_start3A_389] : memref<4x4x4096xf32, #tpu.memory_space<vmem>> -> memref<1x4x4096xf32, #tpu.memory_space<vmem>>
        %dma_start3A_391 = tpu.memref_squeeze %dma_start3A_390 : memref<1x4x4096xf32, #tpu.memory_space<vmem>> -> memref<4x4096xf32, #tpu.memory_space<vmem>>
        %dma_start3A_392 = arith.constant 0 : i32
        %dma_start3A_393 = tpu.memref_slice %arg2[%add3A_377, %dma_start3A_392] : memref<16384x4096xf32, #tpu.memory_space<hbm>> -> memref<4x4096xf32, #tpu.memory_space<hbm>>
        tpu.enqueue_dma source(%dma_start3A_393 : memref<4x4096xf32, #tpu.memory_space<hbm>>) target(%dma_start3A_391 : memref<4x4096xf32, #tpu.memory_space<vmem>>) target_semaphore(%dma_start3A_387 : memref<!tpu.dma_semaphore, #tpu.memory_space<semaphore_mem>>)
      } else {
      }
    }
    %scan3A_78 = arith.constant 32 : i32
    %add3A_79 = arith.constant 496 : i32
    %add3A_80 = arith.addi %mul3A_2, %add3A_79 : i32
    %dma_wait3A = arith.constant 0 : i32
    %dma_wait3A_81 = arith.constant 0 : i32
    %dma_wait3A_82 = arith.constant 0 : i32
    %dma_wait3A_83 = arith.constant 0 : i32
    %dma_wait3A_84 = tpu.memref_slice %arg4[%dma_wait3A, %dma_wait3A_82, %dma_wait3A_83] : memref<4x4x4096xf32, #tpu.memory_space<vmem>> -> memref<1x4x4096xf32, #tpu.memory_space<vmem>>
    %dma_wait3A_85 = tpu.memref_squeeze %dma_wait3A_84 : memref<1x4x4096xf32, #tpu.memory_space<vmem>> -> memref<4x4096xf32, #tpu.memory_space<vmem>>
    %dma_wait3A_86 = arith.constant 0 : i32
    %dma_wait3A_87 = tpu.memref_slice %arg3[%add3A_80, %dma_wait3A_86] : memref<16384x4096xf32, #tpu.memory_space<hbm>> -> memref<4x4096xf32, #tpu.memory_space<hbm>>
    %dma_wait3A_88 = tpu.memref_slice %arg6[%dma_wait3A_81] : memref<4x!tpu.dma_semaphore, #tpu.memory_space<semaphore_mem>> -> memref<1x!tpu.dma_semaphore, #tpu.memory_space<semaphore_mem>>
    %dma_wait3A_89 = tpu.memref_squeeze %dma_wait3A_88 : memref<1x!tpu.dma_semaphore, #tpu.memory_space<semaphore_mem>> -> memref<!tpu.dma_semaphore, #tpu.memory_space<semaphore_mem>>
    %dma_wait3A_90 = arith.constant 0 : i32
    %dma_wait3A_91 = tpu.memref_slice %arg3[%add3A_80, %dma_wait3A_90] : memref<16384x4096xf32, #tpu.memory_space<hbm>> -> memref<4x4096xf32, #tpu.memory_space<hbm>>
    %dma_wait3A_92 = arith.constant 0 : i32
    %dma_wait3A_93 = arith.constant 0 : i32
    %dma_wait3A_94 = tpu.memref_slice %arg4[%dma_wait3A, %dma_wait3A_92, %dma_wait3A_93] : memref<4x4x4096xf32, #tpu.memory_space<vmem>> -> memref<1x4x4096xf32, #tpu.memory_space<vmem>>
    %dma_wait3A_95 = tpu.memref_squeeze %dma_wait3A_94 : memref<1x4x4096xf32, #tpu.memory_space<vmem>> -> memref<4x4096xf32, #tpu.memory_space<vmem>>
    tpu.wait_dma2 semaphore(%dma_wait3A_89 : memref<!tpu.dma_semaphore, #tpu.memory_space<semaphore_mem>>) src(%dma_wait3A_95 : memref<4x4096xf32, #tpu.memory_space<vmem>>) dst(%dma_wait3A_91 : memref<4x4096xf32, #tpu.memory_space<hbm>>)
    %add3A_96 = arith.constant 500 : i32
    %add3A_97 = arith.addi %mul3A_2, %add3A_96 : i32
    %dma_wait3A_98 = arith.constant 1 : i32
    %dma_wait3A_99 = arith.constant 1 : i32
    %dma_wait3A_100 = arith.constant 0 : i32
    %dma_wait3A_101 = arith.constant 0 : i32
    %dma_wait3A_102 = tpu.memref_slice %arg4[%dma_wait3A_98, %dma_wait3A_100, %dma_wait3A_101] : memref<4x4x4096xf32, #tpu.memory_space<vmem>> -> memref<1x4x4096xf32, #tpu.memory_space<vmem>>
    %dma_wait3A_103 = tpu.memref_squeeze %dma_wait3A_102 : memref<1x4x4096xf32, #tpu.memory_space<vmem>> -> memref<4x4096xf32, #tpu.memory_space<vmem>>
    %dma_wait3A_104 = arith.constant 0 : i32
    %dma_wait3A_105 = tpu.memref_slice %arg3[%add3A_97, %dma_wait3A_104] : memref<16384x4096xf32, #tpu.memory_space<hbm>> -> memref<4x4096xf32, #tpu.memory_space<hbm>>
    %dma_wait3A_106 = tpu.memref_slice %arg6[%dma_wait3A_99] : memref<4x!tpu.dma_semaphore, #tpu.memory_space<semaphore_mem>> -> memref<1x!tpu.dma_semaphore, #tpu.memory_space<semaphore_mem>>
    %dma_wait3A_107 = tpu.memref_squeeze %dma_wait3A_106 : memref<1x!tpu.dma_semaphore, #tpu.memory_space<semaphore_mem>> -> memref<!tpu.dma_semaphore, #tpu.memory_space<semaphore_mem>>
    %dma_wait3A_108 = arith.constant 0 : i32
    %dma_wait3A_109 = tpu.memref_slice %arg3[%add3A_97, %dma_wait3A_108] : memref<16384x4096xf32, #tpu.memory_space<hbm>> -> memref<4x4096xf32, #tpu.memory_space<hbm>>
    %dma_wait3A_110 = arith.constant 0 : i32
    %dma_wait3A_111 = arith.constant 0 : i32
    %dma_wait3A_112 = tpu.memref_slice %arg4[%dma_wait3A_98, %dma_wait3A_110, %dma_wait3A_111] : memref<4x4x4096xf32, #tpu.memory_space<vmem>> -> memref<1x4x4096xf32, #tpu.memory_space<vmem>>
    %dma_wait3A_113 = tpu.memref_squeeze %dma_wait3A_112 : memref<1x4x4096xf32, #tpu.memory_space<vmem>> -> memref<4x4096xf32, #tpu.memory_space<vmem>>
    tpu.wait_dma2 semaphore(%dma_wait3A_107 : memref<!tpu.dma_semaphore, #tpu.memory_space<semaphore_mem>>) src(%dma_wait3A_113 : memref<4x4096xf32, #tpu.memory_space<vmem>>) dst(%dma_wait3A_109 : memref<4x4096xf32, #tpu.memory_space<hbm>>)
    %add3A_114 = arith.constant 504 : i32
    %add3A_115 = arith.addi %mul3A_2, %add3A_114 : i32
    %dma_wait3A_116 = arith.constant 2 : i32
    %dma_wait3A_117 = arith.constant 2 : i32
    %dma_wait3A_118 = arith.constant 0 : i32
    %dma_wait3A_119 = arith.constant 0 : i32
    %dma_wait3A_120 = tpu.memref_slice %arg4[%dma_wait3A_116, %dma_wait3A_118, %dma_wait3A_119] : memref<4x4x4096xf32, #tpu.memory_space<vmem>> -> memref<1x4x4096xf32, #tpu.memory_space<vmem>>
    %dma_wait3A_121 = tpu.memref_squeeze %dma_wait3A_120 : memref<1x4x4096xf32, #tpu.memory_space<vmem>> -> memref<4x4096xf32, #tpu.memory_space<vmem>>
    %dma_wait3A_122 = arith.constant 0 : i32
    %dma_wait3A_123 = tpu.memref_slice %arg3[%add3A_115, %dma_wait3A_122] : memref<16384x4096xf32, #tpu.memory_space<hbm>> -> memref<4x4096xf32, #tpu.memory_space<hbm>>
    %dma_wait3A_124 = tpu.memref_slice %arg6[%dma_wait3A_117] : memref<4x!tpu.dma_semaphore, #tpu.memory_space<semaphore_mem>> -> memref<1x!tpu.dma_semaphore, #tpu.memory_space<semaphore_mem>>
    %dma_wait3A_125 = tpu.memref_squeeze %dma_wait3A_124 : memref<1x!tpu.dma_semaphore, #tpu.memory_space<semaphore_mem>> -> memref<!tpu.dma_semaphore, #tpu.memory_space<semaphore_mem>>
    %dma_wait3A_126 = arith.constant 0 : i32
    %dma_wait3A_127 = tpu.memref_slice %arg3[%add3A_115, %dma_wait3A_126] : memref<16384x4096xf32, #tpu.memory_space<hbm>> -> memref<4x4096xf32, #tpu.memory_space<hbm>>
    %dma_wait3A_128 = arith.constant 0 : i32
    %dma_wait3A_129 = arith.constant 0 : i32
    %dma_wait3A_130 = tpu.memref_slice %arg4[%dma_wait3A_116, %dma_wait3A_128, %dma_wait3A_129] : memref<4x4x4096xf32, #tpu.memory_space<vmem>> -> memref<1x4x4096xf32, #tpu.memory_space<vmem>>
    %dma_wait3A_131 = tpu.memref_squeeze %dma_wait3A_130 : memref<1x4x4096xf32, #tpu.memory_space<vmem>> -> memref<4x4096xf32, #tpu.memory_space<vmem>>
    tpu.wait_dma2 semaphore(%dma_wait3A_125 : memref<!tpu.dma_semaphore, #tpu.memory_space<semaphore_mem>>) src(%dma_wait3A_131 : memref<4x4096xf32, #tpu.memory_space<vmem>>) dst(%dma_wait3A_127 : memref<4x4096xf32, #tpu.memory_space<hbm>>)
    %add3A_132 = arith.constant 508 : i32
    %add3A_133 = arith.addi %mul3A_2, %add3A_132 : i32
    %dma_wait3A_134 = arith.constant 3 : i32
    %dma_wait3A_135 = arith.constant 3 : i32
    %dma_wait3A_136 = arith.constant 0 : i32
    %dma_wait3A_137 = arith.constant 0 : i32
    %dma_wait3A_138 = tpu.memref_slice %arg4[%dma_wait3A_134, %dma_wait3A_136, %dma_wait3A_137] : memref<4x4x4096xf32, #tpu.memory_space<vmem>> -> memref<1x4x4096xf32, #tpu.memory_space<vmem>>
    %dma_wait3A_139 = tpu.memref_squeeze %dma_wait3A_138 : memref<1x4x4096xf32, #tpu.memory_space<vmem>> -> memref<4x4096xf32, #tpu.memory_space<vmem>>
    %dma_wait3A_140 = arith.constant 0 : i32
    %dma_wait3A_141 = tpu.memref_slice %arg3[%add3A_133, %dma_wait3A_140] : memref<16384x4096xf32, #tpu.memory_space<hbm>> -> memref<4x4096xf32, #tpu.memory_space<hbm>>
    %dma_wait3A_142 = tpu.memref_slice %arg6[%dma_wait3A_135] : memref<4x!tpu.dma_semaphore, #tpu.memory_space<semaphore_mem>> -> memref<1x!tpu.dma_semaphore, #tpu.memory_space<semaphore_mem>>
    %dma_wait3A_143 = tpu.memref_squeeze %dma_wait3A_142 : memref<1x!tpu.dma_semaphore, #tpu.memory_space<semaphore_mem>> -> memref<!tpu.dma_semaphore, #tpu.memory_space<semaphore_mem>>
    %dma_wait3A_144 = arith.constant 0 : i32
    %dma_wait3A_145 = tpu.memref_slice %arg3[%add3A_133, %dma_wait3A_144] : memref<16384x4096xf32, #tpu.memory_space<hbm>> -> memref<4x4096xf32, #tpu.memory_space<hbm>>
    %dma_wait3A_146 = arith.constant 0 : i32
    %dma_wait3A_147 = arith.constant 0 : i32
    %dma_wait3A_148 = tpu.memref_slice %arg4[%dma_wait3A_134, %dma_wait3A_146, %dma_wait3A_147] : memref<4x4x4096xf32, #tpu.memory_space<vmem>> -> memref<1x4x4096xf32, #tpu.memory_space<vmem>>
    %dma_wait3A_149 = tpu.memref_squeeze %dma_wait3A_148 : memref<1x4x4096xf32, #tpu.memory_space<vmem>> -> memref<4x4096xf32, #tpu.memory_space<vmem>>
    tpu.wait_dma2 semaphore(%dma_wait3A_143 : memref<!tpu.dma_semaphore, #tpu.memory_space<semaphore_mem>>) src(%dma_wait3A_149 : memref<4x4096xf32, #tpu.memory_space<vmem>>) dst(%dma_wait3A_145 : memref<4x4096xf32, #tpu.memory_space<hbm>>)
    return
  }
}

</mosaic_0001>

<sc_bundles>
// kernel: kernel.3.cloned.1.call-start
scs
__scs_entry_jumppad:
0x0: {  	(pc) =	sbr.rel $0x88, $3  }
0x1: {  	(tag) =	ssettag $0x0;
	lr =	simm.s32 $0x1  }
0x2: {  	[smem:$0x3FA0] =	sst lr;
	_ =	strace $0xD0000000  }
0x3: {  	_ = 	snop  }
0x4: {  	_ = 	snop  }
0x5: {  	_ = 	snop  }
0x6: {  	_ = 	snop  }
0x7: {  	_ = 	snop  }
__scs_overlays_trampoline_lowered:
0x8: {  	[smem:$0x3FAF] =	sst s0  }
0x9: {  	[smem:$0x3FB0] =	sst s1  }
0xa: {  	[smem:$0x3FB1] =	sst s2  }
0xb: {  	[smem:$0x3FB2] =	sst s3  }
0xc: {  	[smem:$0x3FB3] =	sst s4  }
0xd: {  	[smem:$0x3FB4] =	sst s5  }
0xe: {  	[smem:$0x3FB5] =	sst s6  }
0xf: {  	[smem:$0x3FB6] =	sst s7  }
0x10: {  	[smem:$0x3FB7] =	sst s8  }
0x11: {  	[smem:$0x3FB8] =	sst s9;
	s0 =	simm.s32 @!p0 $0x0  }
0x12: {  	s1 =	sld [smem:$0x3F9E];
	s0 =	simm.s32 @p0 $0x1  }
0x13: {  	[smem:$0x3FB9] =	sst s0;
	s0 =	simm.s32 @!p1 $0x0  }
0x14: {  	s2 =	sld [smem:$0x3F9D];
	s0 =	simm.s32 @p1 $0x1  }
0x15: {  	[smem:$0x3FBA] =	sst s0;
	s0 =	simm.s32 @!p2 $0x0  }
0x16: {  	s3 =	sld [smem:$0x3FDB];
	s0 =	simm.s32 @p2 $0x1  }
0x17: {  	s4 =	simm.s32 $0x1BF5;
	[smem:$0x3FBC] =	sst s0  }
0x18: {  	s0 =	sld [smem:$0x3F9F];
	_ =	swait.ge [sflag:s4], $0x0  }
0x19: {  	s7 =	sld [smem:$0x3FA0]  }
0x1a: {  	s8 =	sadd.s32 $0xFFFFE003, lr  }
0x1b: {  	s9 =	sadd.s32 $0xFFFFFEF7, lr;
	s5 =	simm.s32 $0xFFFFFFFF;
	p2 =	slt.u32 s8, $0xFFFFF086  }
0x1c: {  	p1 =	slt.u32 s9, $0xF7A;
	s5 =	simm.s32 @!p2 $0x0  }
0x1d: {  	s5 =	simm.s32 @p1 $0x1;
	p0 =	seq.s32 s7, s2  }
0x1e: {  	s7 =	smul.u32 @!p0 $0xF7A, s2;
	p2 =	seq.s32 @!p0 s5, $0x0  }
0x1f: {  	s9 =	smul.u32 $0xF7A, s1;
	s8 =	simm.s32 @!p0 $0x1BF5;
	p2 =	por !p2, p0  }
0x20: {  	[sflag:s8] =	ssyncset.s32 @!p0 $0xFFFFF086;
	s6 =	sadd.s32 @!p0 s3, s7;
	s7 =	simm.s32 @!p0 $0x108  }
0x21: {  	s3 =	sadd.s32 s3, s9;
	s6 =	sadd.s32 @!p0 $0x88, s6;
	s7 =	simm.s32 @p2 $0x1082  }
0x22: {  	[simem:s7], [sflag:s8] =	dma.local @!p0 [hbm:s6], $0xF7A  }
0x23: {  	s9 =	sor.u32 $0xD0000000, s2;
	s6 =	simm.s32 $0x108;
	_ =	swait.ge @!p0 [sflag:s8], $0x0  }
0x24: {  	s3 =	sadd.s32 $0x88, s3;
	s6 =	simm.s32 @!p1 $0x1082;
	[sflag:s4] =	ssyncset.s32 $0xFFFFF086  }
0x25: {  	[simem:s6], [sflag:s4] =	dma.local [hbm:s3], $0xF7A  }
0x26: {  	[smem:$0x3FA0] =	sst s1;
	(tag) =	ssettag s2;
	_ =	strace s9  }
0x27: {  	s1 =	sld [smem:$0x3FB0]  }
0x28: {  	s2 =	sld [smem:$0x3FB1]  }
0x29: {  	s4 =	sld [smem:$0x3FB3]  }
0x2a: {  	p0 =	seq.s32 s5, $0x0;
	s5 =	sld [smem:$0x3FB4]  }
0x2b: {  	s6 =	sld [smem:$0x3FB5]  }
0x2c: {  	s7 =	sld [smem:$0x3FB6]  }
0x2d: {  	s3 =	simm.s32 $0x108;
	s8 =	sld [smem:$0x3FB7]  }
0x2e: {  	s3 =	simm.s32 @!p0 $0x1082;
	s9 =	sld [smem:$0x3FB8]  }
0x2f: {  	lr =	sadd.s32 s0, s3;
	s0 =	sld [smem:$0x3FAF]  }
0x30: {  	s3 =	sld [smem:$0x3FB2]  }
0x31: {  	[smem:$0x3FBB] =	sst s10  }
0x32: {  	s10 =	sld [smem:$0x3FB9];
	_ =	sdelay $0x3  }
0x33: {  	p0 =	seq.s32 s10, $0x1;
	s10 =	sld [smem:$0x3FBB];
	_ =	sdelay $0x3  }
0x34: {  	[smem:$0x3FBB] =	sst s10  }
0x35: {  	s10 =	sld [smem:$0x3FBA];
	_ =	sdelay $0x3  }
0x36: {  	p1 =	seq.s32 s10, $0x1;
	s10 =	sld [smem:$0x3FBB];
	_ =	sdelay $0x3  }
0x37: {  	[smem:$0x3FBB] =	sst s10  }
0x38: {  	s10 =	sld [smem:$0x3FBC]  }
0x39: {  	_ = 	snop;
	(pc) =	sbr.ind lr, $3  }
0x3a: {  	_ = 	snop  }
0x3b: {  	_ = 	snop  }
0x3c: {  	p2 =	seq.s32 s10, $0x1;
	s10 =	sld [smem:$0x3FBB]  }
0x3d: {  	_ =	shalt  }
0x3e: {  	_ =	shalt  }
0x3f: {  	_ =	shalt  }
0x40: {  	_ =	shalt  }
0x41: {  	_ =	shalt  }
0x42: {  	_ =	shalt  }
0x43: {  	_ =	shalt  }
0x44: {  	_ =	shalt  }
0x45: {  	_ =	shalt  }
0x46: {  	_ =	shalt  }
0x47: {  	_ =	shalt  }
0x48: {  	_ =	shalt  }
0x49: {  	_ =	shalt  }
0x4a: {  	_ =	shalt  }
0x4b: {  	_ =	shalt  }
0x4c: {  	_ =	shalt  }
0x4d: {  	_ =	shalt  }
0x4e: {  	_ =	shalt  }
0x4f: {  	_ =	shalt  }
0x50: {  	_ =	shalt  }
0x51: {  	_ =	shalt  }
0x52: {  	_ =	shalt  }
0x53: {  	_ =	shalt  }
0x54: {  	_ =	shalt  }
0x55: {  	_ =	shalt  }
0x56: {  	_ =	shalt  }
0x57: {  	_ =	shalt  }
0x58: {  	_ =	shalt  }
0x59: {  	_ =	shalt  }
0x5a: {  	_ =	shalt  }
0x5b: {  	_ =	shalt  }
0x5c: {  	_ =	shalt  }
0x5d: {  	_ =	shalt  }
0x5e: {  	_ =	shalt  }
0x5f: {  	_ =	shalt  }
0x60: {  	_ =	shalt  }
0x61: {  	_ =	shalt  }
0x62: {  	_ =	shalt  }
0x63: {  	_ =	shalt  }
0x64: {  	_ =	shalt  }
0x65: {  	_ =	shalt  }
0x66: {  	_ =	shalt  }
0x67: {  	_ =	shalt  }
0x68: {  	_ =	shalt  }
0x69: {  	_ =	shalt  }
0x6a: {  	_ =	shalt  }
0x6b: {  	_ =	shalt  }
0x6c: {  	_ =	shalt  }
0x6d: {  	_ =	shalt  }
0x6e: {  	_ =	shalt  }
0x6f: {  	_ =	shalt  }
0x70: {  	_ =	shalt  }
0x71: {  	_ =	shalt  }
0x72: {  	_ =	shalt  }
0x73: {  	_ =	shalt  }
0x74: {  	_ =	shalt  }
0x75: {  	_ =	shalt  }
0x76: {  	_ =	shalt  }
0x77: {  	_ =	shalt  }
0x78: {  	_ =	shalt  }
0x79: {  	_ =	shalt  }
0x7a: {  	_ =	shalt  }
0x7b: {  	_ =	shalt  }
0x7c: {  	_ =	shalt  }
0x7d: {  	_ =	shalt  }
0x7e: {  	_ =	shalt  }
0x7f: {  	_ =	shalt  }
0x80: {  	_ =	shalt  }
0x81: {  	_ =	shalt  }
0x82: {  	_ =	shalt  }
0x83: {  	_ =	shalt  }
0x84: {  	_ =	shalt  }
0x85: {  	_ =	shalt  }
0x86: {  	_ =	shalt  }
0x87: {  	_ =	shalt  }
.Lfunc_end0:
.L_simem_size_0:
called_computation.1_lowered:
.L_overlay_start_0:
0x88: {  	s2 =	sld [smem:$0x3FD9]  }
0x89: {  	s3 =	sld [smem:$0x3FFE];
	_ =	sdelay $0x1  }
0x8a: {  	s1 =	srdreg.scid  }
0x8b: {  	s0 =	sand.u32 $0x1, s1  }
0x8c: {  	s17 =	sshll.u32 s0, $0xA;
	s2 =	sadd.s32 s3, s2  }
0x8d: {  	s2 =	sadd.s32 s2, s17  }
0x8e: {  	[smem:$0x3FC7] =	sst s2  }
0x8f: {  	_ = 	snop  }
0x90: {  	s2 =	sld [smem:$0x3FD0];
	(tm) =	ssettm $0x1  }
0x91: {  	s18 =	sld [smem:$0x3FFB];
	_ =	sdelay $0x3  }
0x92: {  	_ =	strace s18  }
0x93: {  	s3 =	sld [smem:$0x3FFC];
	_ =	sdelay $0x3  }
0x94: {  	_ =	strace s3  }
0x95: {  	s3 =	sld [smem:$0x3FFD];
	_ =	sdelay $0x3  }
0x96: {  	_ =	strace s3  }
0x97: {  	_ =	strace $0x8FFFFFFF  }
0x98: {  	s19 =	sld [smem:$0x3FDB];
	_ =	sdelay $0x1  }
0x99: {  	s4 =	simm.s32 $_scs_section_size  }
0x9a: {  	s5 =	simm.s32 $_size__tile_overlayer_lowered;
	s6 =	simm.s32 $_tile_overlayer_lowered  }
0x9b: {  	s22 =	simm.s32 $0x1BFF;
	s21 =	sshll.u32 s6, $0x1;
	s3 =	sadd.s32 s4, s19  }
0x9c: {  	s7 =	simm.s32 $0x0;
	s20 =	sshll.u32 s5, $0x1;
	s5 =	sadd.s32 s21, s3  }
0x9d: {  	[timem:s7], [sflag:s22] =	dma.local [hbm:s5], s20  }
0x9e: {  	_ =	swait.ge [sflag:s22], s20  }
0x9f: {  	s4 =	ssub.s32 $0x0, s20;
	[sflag:s22] =	ssyncset.done $0x0  }
0xa0: {  	[sflag:s22] =	ssyncadd.s32 s4;
	_ =	sdelay $0x1  }
0xa1: {  	s23 =	simm.s32 $0x1B8B  }
0xa2: {  	_ =	swait.ge [sflag:s23], $0x1  }
0xa3: {  	[sflag:s23] =	ssyncset.done $0x0  }
0xa4: {  	s25 =	simm.s32 $0x1B8E;
	s24 =	sld [smem:$0x3FFE];
	[sflag:s23] =	ssyncadd.s32 $0xFFFFFFFF  }
0xa5: {  	s26 =	simm.s32 $execute0_lowered;
	[smem:$0x3FD2] =	sst s25  }
0xa6: {  	s5 =	sshll.u32 s26, $0x1;
	_ =	strace $0x80000049;
	[dreg:$0x1] =	wrdreg $0xFFFFFFFF  }
0xa7: {  	s28 =	simm.s32 $_size_execute0_lowered;
	s3 =	sadd.s32 s3, s5;
	[dreg:$0x0] =	wrdreg $0x0  }
0xa8: {  	s5 =	sshll.u32 s28, $0x1;
	[dreg:$0x2] =	wrdreg s3  }
0xa9: {  	[dreg:$0x3] =	wrdreg s5  }
0xaa: {  	[dreg:$0x4] =	wrdreg $0xC0  }
0xab: {  	_ =	task [dreg:s7], $0x5FFFF  }
0xac: {  	[dreg:$0x1] =	wrdreg $0xFFFFFFFF  }
0xad: {  	[dreg:$0x0] =	wrdreg $0x60  }
0xae: {  	[dreg:$0x2] =	wrdreg s24  }
0xaf: {  	[dreg:$0x3] =	wrdreg s2  }
0xb0: {  	[dreg:$0x4] =	wrdreg $0x9  }
0xb1: {  	_ =	task.clear_ibuf [dreg:s7], $0x5FFFF;
	_ =	strace $0x90000049  }
0xb2: {  	s29 =	simm.s32 $0x9;
	_ =	strace $0x8000004B  }
0xb3: {  	_ =	swait.ge [sflag:s29], $0x1  }
0xb4: {  	[sflag:s29] =	ssyncadd.s32 $0xFFFFFFFF  }
0xb5: {  	_ =	strace $0x9000004B  }
0xb6: {  	_ =	sfence  }
0xb7: {  	s30 =	sld [smem:$0x0];
	_ =	sdelay $0x2  }
0xb8: {  	s31 =	sshll.u32 s1, $0xD;
	s1 =	sshrl.u32 s1, $0x2  }
0xb9: {  	s3 =	sand.u32 $0x4000, s31;
	s1 =	sadd.s32 s1, s30  }
0xba: {  	s0 =	sor.u32 s3, s0;
	s1 =	sshll.u32 s1, $0x11  }
0xbb: {  	s0 =	sor.u32 s1, s0  }
0xbc: {  	s0 =	sadd.s32 $0x8F2B, s0  }
0xbd: {  	[sflag:s0] =	ssyncadd.remote.s32 $0x1  }
0xbe: {  	_ =	sfence.sel $0xFFFF  }
0xbf: {  	[dreg:$0x0] =	wrdreg $0xFFFFFFFF;
	(pc) =	sbr.abs _section_cstart, $3  }
0xc0: {  	[dreg:$0x1] =	wrdreg $0xFFFFFFFF  }
0xc1: {  	_ =	task.clear_ibuf [dreg:s7], $0x2FFFF;
	_ =	strace $0x9FFFFFFF  }
0xc2: {  	(tm) =	ssettm $0x7FFFFFFF  }
0xc3: {  	_ =	shalt  }
tec
execute0_lowered:
.L_overlay_start_1:
0x0: {  	(tag) =	ssettag $0x1  }
0x1: {  	s3 =	rddreg [dreg:$0x0]  }
0x2: {  	s7 =	rddreg [dreg:$0x1]  }
0x3: {  	s2 =	srdreg.scid;
	s0 =	rddreg [dreg:$0x2]  }
0x4: {  	s1 =	stileid.u32;
	s13 =	simm.s32 $0x8000;
	s14 =	simm.s32 $0xC000  }
0x5: {  	s15 =	simm.s32 $0x1;
	s16 =	simm.s32 $0x2;
	s17 =	simm.s32 $0x3  }
0x6: {  	s18 =	simm.s32 $0x4;
	s19 =	simm.s32 $0x5;
	s20 =	simm.s32 $0x6  }
0x7: {  	s21 =	simm.s32 $0x7;
	s22 =	simm.s32 $0x8;
	s23 =	simm.s32 $0x0  }
0x8: {  	s4 =	sand.u32 $0x1, s2;
	s2 =	simm.s32 $0x0;
	s9 =	sshll.u32 s1, $0x13  }
0x9: {  	s11 =	sadd.s32 $0x800, s3;
	s10 =	sshll.u32 s4, $0x12;
	s4 =	ssub.s32 $0x2, s4  }
0xa: {  	[smem:$0x7FF] =	sst s2;
	s12 =	sadd.s32 s9, s7;
	s31 =	sor.u32 s10, s9  }
.Ltmp0:
0xb: {  	s5 =	sshrl.u32 s4, $0x1;
	_ =	strace $0x8000004A;
	(pc) =	sbr.rel .LBB2_1-.Ltmp0, $4  }
0xc: {  	s9 =	sadd.s32 s9, s11;
	s3 =	sadd.s32 s11, s31;
	s8 =	ssub.s32 s4, s5  }
0xd: {  	s9 =	sadd.s32 s10, s9;
	s11 =	simm.s32 $0x400;
	s4 =	sadd.s32 $0x40, s3  }
0xe: {  	s5 =	sadd.s32 $0x1000, s3;
	s6 =	sadd.s32 $0x1040, s3;
	s7 =	smax.u32 s8, $0x1  }
0xf: {  	s8 =	sadd.s32 s10, s12;
	s10 =	simm.s32 $0x200;
	s12 =	simm.s32 $0x4000  }
.LBB2_4:
0x10: {  	_ =	swait.ge [sflag:s20], $0x4000  }
0x11: {  	[sflag:s20] =	ssyncset.done $0x0  }
0x12: {  	s23 =	sadd.s32 $0x1, s23;
	[sflag:s20] =	ssyncadd.s32 $0xFFFFC000  }
0x13: {  	p0 =	sne.s32 s23, s7;
	_ =	swait.ge [sflag:s21], $0x4000  }
.Ltmp1:
0x14: {  	[sflag:s21] =	ssyncset.done $0x0;
	(pc) =	sbr.rel @!p0 .LBB2_5-.Ltmp1, $4  }
0x15: {  	[sflag:s21] =	ssyncadd.s32 $0xFFFFC000  }
0x16: {  	_ =	swait.ge [sflag:s22], $0x4000  }
0x17: {  	[sflag:s22] =	ssyncset.done $0x0  }
0x18: {  	[sflag:s22] =	ssyncadd.s32 $0xFFFFC000  }
.LBB2_1:
0x19: {  	[tilespmem:s2], [sflag:$0x1] =	stream.strided.gather [hbm4b:s3+s10], $0x4000, s11, s10, $0x38;
	[tilespmem:$0x10000] =	vst v63  }
0x1a: {  	_ = 	snop  }
0x1b: {  	[tilespmem:s12], [sflag:$0x2] =	stream.strided.gather [hbm4b:s4+s10], $0x4000, s11, s10, $0x38;
	[tilespmem:$0x10000] =	vst v63  }
0x1c: {  	_ = 	snop  }
0x1d: {  	[tilespmem:s13], [sflag:$0x3] =	stream.strided.gather [hbm4b:s5+s10], $0x4000, s11, s10, $0x38;
	[tilespmem:$0x10000] =	vst v63  }
0x1e: {  	s24 =	simm.s32 $0x0  }
0x1f: {  	[tilespmem:s14], [sflag:$0x4] =	stream.strided.gather [hbm4b:s6+s10], $0x4000, s11, s10, $0x38;
	[tilespmem:$0x10000] =	vst v63  }
.LBB2_2:
0x20: {  	_ =	swait.ge [sflag:s15], $0x4000  }
0x21: {  	[sflag:s15] =	ssyncset.done $0x0  }
0x22: {  	s25 =	sadd.s32 s24, s8;
	[sflag:s15] =	ssyncadd.s32 $0xFFFFC000  }
0x23: {  	[hbm4b:s25+s10] =	stream.strided.scatter [tilespmem:s2], [sflag:$0x5], $0x4000, s11, s10, $0x38;
	[tilespmem:$0x10000] =	vst v63  }
0x24: {  	_ =	swait.ge [sflag:s16], $0x4000  }
0x25: {  	[sflag:s16] =	ssyncset.done $0x0  }
0x26: {  	s26 =	sadd.s32 $0x40, s25;
	[sflag:s16] =	ssyncadd.s32 $0xFFFFC000  }
0x27: {  	[hbm4b:s26+s10] =	stream.strided.scatter [tilespmem:s12], [sflag:$0x6], $0x4000, s11, s10, $0x38;
	[tilespmem:$0x10000] =	vst v63  }
0x28: {  	_ =	swait.ge [sflag:s17], $0x4000  }
0x29: {  	[sflag:s17] =	ssyncset.done $0x0  }
0x2a: {  	s31 =	sadd.s32 $0x1000, s25;
	[sflag:s17] =	ssyncadd.s32 $0xFFFFC000  }
0x2b: {  	[hbm4b:s31+s10] =	stream.strided.scatter [tilespmem:s13], [sflag:$0x7], $0x4000, s11, s10, $0x38;
	[tilespmem:$0x10000] =	vst v63  }
0x2c: {  	_ =	swait.ge [sflag:s18], $0x4000  }
0x2d: {  	p0 =	seq.s32 s24, $0x3E000;
	[sflag:s18] =	ssyncset.done $0x0  }
.Ltmp2:
0x2e: {  	s25 =	sadd.s32 $0x1040, s25;
	[sflag:s18] =	ssyncadd.s32 $0xFFFFC000;
	(pc) =	sbr.rel @p0 .LBB2_4-.Ltmp2, $4  }
0x2f: {  	[hbm4b:s25+s10] =	stream.strided.scatter [tilespmem:s14], [sflag:$0x8], $0x4000, s11, s10, $0x38;
	[tilespmem:$0x10000] =	vst v63  }
0x30: {  	_ =	swait.ge [sflag:s19], $0x4000  }
0x31: {  	[sflag:s19] =	ssyncset.done $0x0  }
0x32: {  	[sflag:s19] =	ssyncadd.s32 $0xFFFFC000  }
0x33: {  	s25 =	sadd.s32 s24, s9  }
0x34: {  	s26 =	sadd.s32 $0x2000, s25  }
0x35: {  	[tilespmem:s2], [sflag:$0x1] =	stream.strided.gather [hbm4b:s26+s10], $0x4000, s11, s10, $0x38;
	[tilespmem:$0x10000] =	vst v63  }
0x36: {  	_ =	swait.ge [sflag:s20], $0x4000  }
0x37: {  	[sflag:s20] =	ssyncset.done $0x0  }
0x38: {  	s30 =	sadd.s32 $0x2040, s25;
	[sflag:s20] =	ssyncadd.s32 $0xFFFFC000  }
0x39: {  	[tilespmem:s12], [sflag:$0x2] =	stream.strided.gather [hbm4b:s30+s10], $0x4000, s11, s10, $0x38;
	[tilespmem:$0x10000] =	vst v63  }
0x3a: {  	_ =	swait.ge [sflag:s21], $0x4000  }
0x3b: {  	[sflag:s21] =	ssyncset.done $0x0  }
0x3c: {  	s31 =	sadd.s32 $0x3000, s25;
	[sflag:s21] =	ssyncadd.s32 $0xFFFFC000  }
0x3d: {  	[tilespmem:s13], [sflag:$0x3] =	stream.strided.gather [hbm4b:s31+s10], $0x4000, s11, s10, $0x38;
	[tilespmem:$0x10000] =	vst v63  }
.Ltmp3:
0x3e: {  	_ = 	snop;
	(pc) =	sbr.rel .LBB2_2-.Ltmp3, $4  }
0x3f: {  	_ =	swait.ge [sflag:s22], $0x4000  }
0x40: {  	[sflag:s22] =	ssyncset.done $0x0  }
0x41: {  	s24 =	sadd.s32 $0x2000, s24;
	s25 =	sadd.s32 $0x3040, s25;
	[sflag:s22] =	ssyncadd.s32 $0xFFFFC000  }
0x42: {  	[tilespmem:s14], [sflag:$0x4] =	stream.strided.gather [hbm4b:s25+s10], $0x4000, s11, s10, $0x38;
	[tilespmem:$0x10000] =	vst v63  }
.LBB2_5:
0x43: {  	_ =	sfence.sel $0x180000  }
0x44: {  	[bflag:$0x0] =	sbarrier.arrive $0xFFFF  }
0x45: {  	p0 =	sne.s32 s1, $0x0;
	_ =	strace $0x9000004A  }
0x46: {  	s0 =	sadd.s32 @!p0 $0x100000, s0;
	[bflag:$0x2] =	sbarrier.arrive $0xFFFF  }
0x47: {  	[sflag:s0] =	ssyncadd.tile.s32 @!p0 $0x1;
	_ =	shalt  }
.Lfunc_end2:
_tile_overlayer_lowered:
.L_overlay_start_2:
0x48: {  	(tag) =	ssettag $0x2  }
0x49: {  	s0 =	rddreg [dreg:$0x0];
	s2 =	stileid.u32  }
0x4a: {  	s1 =	rddreg [dreg:$0x1];
	p0 =	sne.s32 s2, $0x0  }
0x4b: {  	s3 =	rddreg [dreg:$0x2];
	[bflag:$0x3] =	sbarrier.arrive $0xFFFF;
	s2 =	simm.s32 @!p0 $0x1C09  }
0x4c: {  	[timem:s3], [sflag:s2] =	dma.local @!p0 [hbm:s0], s1  }
0x4d: {  	s0 =	simm.s32 @!p0 $0x9  }
0x4e: {  	_ =	swait.ge @!p0 [sflag:s0], s1  }
0x4f: {  	s1 =	ssub.s32 @!p0 $0x0, s1;
	[sflag:s0] =	ssyncset.done @!p0 $0x0  }
0x50: {  	[sflag:s0] =	ssyncadd.s32 @!p0 s1  }
0x51: {  	[bflag:$0x3] =	sbarrier.arrive $0xFFFF  }
0x52: {  	_ =	shalt  }

// kernel: sparse-core-data-format-call.cloned.1.call-start
scs
called_computation_lowered:
.L_overlay_start_0:
0x0: {  	s2 =	sld [smem:$0x3FD9]  }
0x1: {  	s3 =	sld [smem:$0x3FFE];
	_ =	sdelay $0x1  }
0x2: {  	s1 =	srdreg.scid  }
0x3: {  	s0 =	sand.u32 $0x1, s1  }
0x4: {  	s18 =	sshll.u32 s0, $0xA;
	s2 =	sadd.s32 s3, s2  }
0x5: {  	s2 =	sadd.s32 s2, s18  }
0x6: {  	[smem:$0x3FC7] =	sst s2  }
0x7: {  	_ = 	snop  }
0x8: {  	s2 =	sld [smem:$0x3FC9];
	(tm) =	ssettm $0x1  }
0x9: {  	s19 =	sld [smem:$0x3FFB];
	_ =	sdelay $0x3  }
0xa: {  	_ =	strace s19  }
0xb: {  	s3 =	sld [smem:$0x3FFC];
	_ =	sdelay $0x3  }
0xc: {  	_ =	strace s3  }
0xd: {  	s3 =	sld [smem:$0x3FFD];
	_ =	sdelay $0x3  }
0xe: {  	_ =	strace s3  }
0xf: {  	_ =	strace $0x8FFFFFFF  }
0x10: {  	s20 =	sld [smem:$0x3FDB];
	_ =	sdelay $0x1  }
0x11: {  	s4 =	simm.s32 $_scs_section_size  }
0x12: {  	s5 =	simm.s32 $_size__tile_overlayer_lowered;
	s6 =	simm.s32 $_tile_overlayer_lowered  }
0x13: {  	s23 =	simm.s32 $0x1BFF;
	s22 =	sshll.u32 s6, $0x1;
	s3 =	sadd.s32 s4, s20  }
0x14: {  	s7 =	simm.s32 $0x0;
	s21 =	sshll.u32 s5, $0x1;
	s5 =	sadd.s32 s22, s3  }
0x15: {  	[timem:s7], [sflag:s23] =	dma.local [hbm:s5], s21  }
0x16: {  	_ =	swait.ge [sflag:s23], s21  }
0x17: {  	s4 =	ssub.s32 $0x0, s21;
	[sflag:s23] =	ssyncset.done $0x0  }
0x18: {  	[sflag:s23] =	ssyncadd.s32 s4;
	_ =	sdelay $0x1  }
0x19: {  	s24 =	simm.s32 $0x1B8B  }
0x1a: {  	_ =	swait.ge [sflag:s24], $0x1  }
0x1b: {  	[sflag:s24] =	ssyncset.done $0x0  }
0x1c: {  	s26 =	simm.s32 $0x1B8E;
	s25 =	sld [smem:$0x3FFE];
	[sflag:s24] =	ssyncadd.s32 $0xFFFFFFFF  }
0x1d: {  	s27 =	simm.s32 $execute0_lowered;
	[smem:$0x3FD2] =	sst s26  }
0x1e: {  	s5 =	sshll.u32 s27, $0x1;
	_ =	strace $0x80000046;
	[dreg:$0x1] =	wrdreg $0xFFFFFFFF  }
0x1f: {  	s28 =	simm.s32 $_size_execute0_lowered;
	s3 =	sadd.s32 s3, s5;
	[dreg:$0x0] =	wrdreg $0x0  }
0x20: {  	s5 =	sshll.u32 s28, $0x1;
	[dreg:$0x2] =	wrdreg s3  }
0x21: {  	[dreg:$0x3] =	wrdreg s5  }
0x22: {  	[dreg:$0x4] =	wrdreg $0xC0  }
0x23: {  	_ =	task [dreg:s7], $0x5FFFF  }
0x24: {  	[dreg:$0x1] =	wrdreg $0xFFFFFFFF  }
0x25: {  	[dreg:$0x0] =	wrdreg $0x60  }
0x26: {  	[dreg:$0x2] =	wrdreg s2  }
0x27: {  	[dreg:$0x3] =	wrdreg s25  }
0x28: {  	[dreg:$0x4] =	wrdreg $0x9  }
0x29: {  	_ =	task.clear_ibuf [dreg:s7], $0x5FFFF;
	_ =	strace $0x90000046  }
0x2a: {  	s29 =	simm.s32 $0x9;
	_ =	strace $0x80000048  }
0x2b: {  	_ =	swait.ge [sflag:s29], $0x1  }
0x2c: {  	[sflag:s29] =	ssyncadd.s32 $0xFFFFFFFF  }
0x2d: {  	_ =	strace $0x90000048  }
0x2e: {  	_ =	sfence  }
0x2f: {  	s30 =	sld [smem:$0x0];
	_ =	sdelay $0x2  }
0x30: {  	s31 =	sshll.u32 s1, $0xD;
	s1 =	sshrl.u32 s1, $0x2  }
0x31: {  	s3 =	sand.u32 $0x4000, s31;
	s1 =	sadd.s32 s1, s30  }
0x32: {  	s0 =	sor.u32 s3, s0;
	s1 =	sshll.u32 s1, $0x11  }
0x33: {  	s0 =	sor.u32 s1, s0  }
0x34: {  	s0 =	sadd.s32 $0x8F2B, s0  }
0x35: {  	[sflag:s0] =	ssyncadd.remote.s32 $0x1  }
0x36: {  	_ =	sfence.sel $0xFFFF  }
0x37: {  	[dreg:$0x0] =	wrdreg $0xFFFFFFFF;
	(pc) =	sbr.abs _section_cstart, $3  }
0x38: {  	[dreg:$0x1] =	wrdreg $0xFFFFFFFF  }
0x39: {  	_ =	task.clear_ibuf [dreg:s7], $0x2FFFF;
	_ =	strace $0x9FFFFFFF  }
0x3a: {  	(tm) =	ssettm $0x7FFFFFFF  }
0x3b: {  	_ =	shalt  }
tec
execute0_lowered:
.L_overlay_start_1:
0x0: {  	(tag) =	ssettag $0x1  }
0x1: {  	s2 =	rddreg [dreg:$0x0]  }
0x2: {  	s1 =	rddreg [dreg:$0x1]  }
0x3: {  	s0 =	rddreg [dreg:$0x2];
	_ =	strace $0x80000047;
	s4 =	srdreg.scid  }
0x4: {  	s6 =	simm.s32 $0x2;
	s11 =	simm.s32 $0x0;
	p0 =	por $0x0, $0x0  }
.Ltmp0:
0x5: {  	s7 =	simm.s32 $0x400;
	s12 =	simm.s32 $0x0;
	(pc) =	sbr.rel .LBB1_1-.Ltmp0, $4  }
0x6: {  	s9 =	simm.s32 $0x0;
	s3 =	sadd.s32 $0x800, s1;
	s5 =	sshll.u32 s4, $0x4  }
0x7: {  	s1 =	stileid.u32;
	s4 =	simm.s32 $0x1;
	s5 =	sand.u32 $0x10, s5  }
0x8: {  	s8 =	simm.s32 $0x0;
	[sflag:s4] =	ssyncpa.u1 $0x0;
	s5 =	sor.u32 s1, s5  }
0x9: {  	[sflag:s6] =	ssyncpa.u1 $0x0;
	s6 =	simm.s32 $0x200;
	s10 =	smov.u32 s5  }
.LBB1_7:
0xa: {  	s13 =	sadd.s32 $0x4, s9  }
0xb: {  	s11 =	sadd.s32 $0x20, s10;
	s15 =	smov.u32 s10;
	p2 =	sgt.s32 s13, $0x7  }
0xc: {  	p1 =	slt.u32 s8, $0x2;
	s15 =	smov.u32 @p2 s11  }
0xd: {  	s8 =	sadd.s32 $0x1, s8;
	s13 =	simm.s32 @p2 $0x0;
	p2 =	sgt.s32 s15, $0x7FF  }
0xe: {  	s15 =	smov.u32 @p2 s5;
	p2 =	sne.s32 s8, $0x82  }
.Ltmp1:
0xf: {  	_ = 	snop;
	(pc) =	sbr.rel @!p2 .LBB1_8-.Ltmp1, $4  }
0x10: {  	s14 =	simm.s32 @!p1 $0x2  }
0x11: {  	s12 =	smov.u32 s10;
	_ =	swait.ge @!p1 [sflag:s14], $0x4000  }
0x12: {  	p0 =	por !p0, !p0;
	s11 =	smov.u32 s9;
	[sflag:s14] =	ssyncset.done @!p1 $0x0  }
0x13: {  	s9 =	smov.u32 s13;
	[sflag:s14] =	ssyncadd.s32 @!p1 $0xFFFFC000;
	s10 =	smov.u32 s15  }
.LBB1_1:
0x14: {  	p1 =	sgt.u32 s8, $0x7F  }
0x15: {  	s13 =	sxor.u32 @!p1 $0xFFFFFFFF, s8;
	s14 =	sshll.u32 @!p1 s10, $0xC  }
0x16: {  	s15 =	sshll.u32 @!p1 s9, $0x9;
	s13 =	sshll.u32 @!p1 s13, $0xE;
	s14 =	sadd.s32 @!p1 s2, s14  }
0x17: {  	s13 =	sand.u32 @!p1 $0x4000, s13;
	s14 =	sadd.s32 @!p1 s15, s14;
	s15 =	simm.s32 @!p1 $0x0  }
0x18: {  	[tilespmem:s13], [sflag:$0x1] =	stream.linear.gather @!p1 [hbm4b:s14+s15], $0x4000, $0x38;
	[tilespmem:$0x10000] =	vst v63  }
0x19: {  	p1 =	seq.s32 s8, $0x0  }
0x1a: {  	p2 =	seq.s32 @!p1 s8, $0x81  }
0x1b: {  	p1 =	por p1, p2  }
.Ltmp2:
0x1c: {  	_ = 	snop;
	(pc) =	sbr.rel @p1 .LBB1_7-.Ltmp2, $1  }
0x1d: {  	_ =	sdelay $0x3  }
0x1e: {  	s13 =	simm.s32 $0x1;
	_ =	swait.ge [sflag:s4], $0x4000;
	s16 =	sshll.u32 s8, $0xE  }
0x1f: {  	s13 =	simm.s32 @!p0 $0x0;
	[sflag:s4] =	ssyncset.done $0x0;
	s31 =	sand.u32 $0x4000, s16  }
0x20: {  	s16 =	simm.s32 $0x0;
	s14 =	sshll.u32 s13, $0xE;
	[sflag:s4] =	ssyncadd.s32 $0xFFFFC000  }
0x21: {  	s13 =	sor.u32 $0x8040, s14;
	s15 =	sor.u32 $0x40, s14;
	s14 =	sor.u32 $0x8000, s31  }
.LBB1_3:
0x22: {  	v0 =	vmov s15;
	_ =	sdelay $0x3  }
0x23: {  	s18 =	simm.s32 $0x0  }
0x24: {  	v6 =	vld.idx.msk [tilespmem:v0+s18+$0x30 ss:$0x1], $0xffff  }
0x25: {  	v7 =	vld.idx.msk [tilespmem:v0+s18+$0xFFFFFFC0 ss:$0x1], $0xffff  }
0x26: {  	v5 =	vld.idx.msk [tilespmem:v0+s18+$0xFFFFFFD0 ss:$0x1], $0xffff  }
0x27: {  	v4 =	vld.idx.msk [tilespmem:v0+s18+$0xFFFFFFE0 ss:$0x1], $0xffff  }
0x28: {  	v3 =	vld.idx.msk [tilespmem:v0+s18+$0xFFFFFFF0 ss:$0x1], $0xffff  }
0x29: {  	v1 =	vld.idx.msk [tilespmem:v0+s18+$0x0 ss:$0x1], $0xffff  }
0x2a: {  	v2 =	vld.idx.msk [tilespmem:v0+s18+$0x10 ss:$0x1], $0xffff;
	[tilespmem:s13+$0x30] =	vst v6  }
0x2b: {  	s17 =	simm.s32 $0x80;
	s19 =	simm.s32 $0x400;
	[tilespmem:s13+$0xFFFFFFC0] =	vst v7;
	v6 =	vld.idx.msk [tilespmem:v0+s18+$0x20 ss:$0x1], $0xffff;
	s18 =	smov.u32 s13  }
.LBB1_4:
0x2c: {  	p1 =	sne.s32 s19, $0x3E00;
	v7 =	vld.idx.msk [tilespmem:v0+s17+$0x30 ss:$0x1], $0xffff;
	[tilespmem:s18+$0xFFFFFFD0] =	vst v5  }
0x2d: {  	v8 =	vld.idx.msk [tilespmem:v0+s17+$0xFFFFFFC0 ss:$0x1], $0xffff;
	[tilespmem:s18+$0xFFFFFFE0] =	vst v4  }
0x2e: {  	v5 =	vld.idx.msk [tilespmem:v0+s17+$0xFFFFFFD0 ss:$0x1], $0xffff;
	[tilespmem:s18+$0xFFFFFFF0] =	vst v3  }
.Ltmp3:
0x2f: {  	v4 =	vld.idx.msk [tilespmem:v0+s17+$0xFFFFFFE0 ss:$0x1], $0xffff;
	[tilespmem:s18+$0x0] =	vst v1;
	(pc) =	sbr.rel @p1 .LBB1_4-.Ltmp3, $4  }
0x30: {  	v3 =	vld.idx.msk [tilespmem:v0+s17+$0xFFFFFFF0 ss:$0x1], $0xffff;
	[tilespmem:s18+$0x10] =	vst v2  }
0x31: {  	v1 =	vld.idx.msk [tilespmem:v0+s17+$0x0 ss:$0x1], $0xffff;
	[tilespmem:s18+$0x20] =	vst v6;
	s18 =	sadd.s32 $0x200, s18  }
0x32: {  	v2 =	vld.idx.msk [tilespmem:v0+s17+$0x10 ss:$0x1], $0xffff;
	[tilespmem:s18+$0x30] =	vst v7  }
0x33: {  	[tilespmem:s18+$0xFFFFFFC0] =	vst v8;
	v6 =	vld.idx.msk [tilespmem:v0+s17+$0x20 ss:$0x1], $0xffff;
	s17 =	sshra.s32 s19, $0x2;
	s19 =	sadd.s32 $0x200, s19  }
0x34: {  	_ =	sdelay $0x2  }
0x35: {  	[tilespmem:s18+$0xFFFFFFD0] =	vst v5  }
0x36: {  	v56 =	vld.idx.msk [tilespmem:v0+s17+$0x30 ss:$0x1], $0xffff;
	[tilespmem:s18+$0xFFFFFFE0] =	vst v4  }
0x37: {  	v57 =	vld.idx.msk [tilespmem:v0+s17+$0xFFFFFFC0 ss:$0x1], $0xffff;
	[tilespmem:s18+$0xFFFFFFF0] =	vst v3  }
0x38: {  	v58 =	vld.idx.msk [tilespmem:v0+s17+$0xFFFFFFD0 ss:$0x1], $0xffff;
	[tilespmem:s18+$0x0] =	vst v1  }
0x39: {  	v59 =	vld.idx.msk [tilespmem:v0+s17+$0xFFFFFFE0 ss:$0x1], $0xffff;
	[tilespmem:s18+$0x10] =	vst v2  }
0x3a: {  	v60 =	vld.idx.msk [tilespmem:v0+s17+$0xFFFFFFF0 ss:$0x1], $0xffff;
	s31 =	sadd.s32 $0x200, s18;
	[tilespmem:s18+$0x20] =	vst v6  }
0x3b: {  	v61 =	vld.idx.msk [tilespmem:v0+s17+$0x0 ss:$0x1], $0xffff;
	[tilespmem:s31+$0x30] =	vst v56  }
0x3c: {  	v62 =	vld.idx.msk [tilespmem:v0+s17+$0x10 ss:$0x1], $0xffff;
	s16 =	sadd.s32 $0x1, s16;
	[tilespmem:s31+$0xFFFFFFC0] =	vst v57  }
0x3d: {  	v63 =	vld.idx.msk [tilespmem:v0+s17+$0x20 ss:$0x1], $0xffff;
	p1 =	sne.s32 s16, $0x4;
	[tilespmem:s31+$0xFFFFFFD0] =	vst v58  }
.Ltmp4:
0x3e: {  	[tilespmem:s31+$0xFFFFFFE0] =	vst v59;
	(pc) =	sbr.rel @p1 .LBB1_3-.Ltmp4, $4  }
0x3f: {  	[tilespmem:s31+$0xFFFFFFF0] =	vst v60  }
0x40: {  	[tilespmem:s31+$0x0] =	vst v61  }
0x41: {  	[tilespmem:s31+$0x10] =	vst v62  }
0x42: {  	s13 =	sadd.s32 $0x80, s13;
	s15 =	sadd.s32 $0x1000, s15;
	[tilespmem:s31+$0x20] =	vst v63  }
.Ltmp5:
0x43: {  	(pc) =	sbr.rel .LBB1_7-.Ltmp5, $4  }
0x44: {  	s12 =	sshll.u32 s12, $0xC;
	s11 =	sshll.u32 s11, $0x4  }
0x45: {  	s11 =	sand.u32 $0x70, s11;
	s12 =	sadd.s32 s3, s12  }
0x46: {  	s11 =	sadd.s32 s11, s12  }
0x47: {  	[hbm4b:s11+s6] =	stream.strided.scatter [tilespmem:s14], [sflag:$0x2], $0x4000, s7, s6, $0x38;
	[tilespmem:$0x10000] =	vst v63  }
.LBB1_8:
0x48: {  	_ =	sfence.sel $0x180000  }
0x49: {  	s2 =	simm.s32 $0x1;
	[bflag:$0x0] =	sbarrier.arrive $0xFFFF  }
0x4a: {  	s31 =	simm.s32 $0x2;
	[sflag:s2] =	ssyncpa.u1 $0x1  }
0x4b: {  	[sflag:s31] =	ssyncpa.u1 $0x1  }
0x4c: {  	p0 =	sne.s32 s1, $0x0;
	_ =	strace $0x90000047  }
0x4d: {  	s0 =	sadd.s32 @!p0 $0x100000, s0;
	[bflag:$0x2] =	sbarrier.arrive $0xFFFF  }
0x4e: {  	[sflag:s0] =	ssyncadd.tile.s32 @!p0 $0x1;
	_ =	shalt  }
.Lfunc_end1:
_tile_overlayer_lowered:
.L_overlay_start_2:
0x4f: {  	(tag) =	ssettag $0x2  }
0x50: {  	s0 =	rddreg [dreg:$0x0];
	s2 =	stileid.u32  }
0x51: {  	s1 =	rddreg [dreg:$0x1];
	p0 =	sne.s32 s2, $0x0  }
0x52: {  	s3 =	rddreg [dreg:$0x2];
	[bflag:$0x3] =	sbarrier.arrive $0xFFFF;
	s2 =	simm.s32 @!p0 $0x1C01  }
0x53: {  	[timem:s3], [sflag:s2] =	dma.local @!p0 [hbm:s0], s1  }
0x54: {  	s0 =	simm.s32 @!p0 $0x1  }
0x55: {  	_ =	swait.ge @!p0 [sflag:s0], s1  }
0x56: {  	s1 =	ssub.s32 @!p0 $0x0, s1;
	[sflag:s0] =	ssyncset.done @!p0 $0x0  }
0x57: {  	[sflag:s0] =	ssyncadd.s32 @!p0 s1  }
0x58: {  	[bflag:$0x3] =	sbarrier.arrive $0xFFFF  }
0x59: {  	_ =	shalt  }

</sc_bundles>
